<compile_context>
chip_gen: v7x
topology: tpu7x:2x2x1
jax: 0.10.2.dev20260603
libtpu: 0.0.44.dev20260713+nightly
codegen_flags: <defaults>
</compile_context>

<pallas_src>
import functools

import jax
import jax.numpy as jnp
from jax import lax
from jax.experimental import pallas as pl
from jax.experimental.pallas import tpu as pltpu
from jax.experimental.pallas import tpu_sc as plsc

_D = 32
_B = 16384
_H = 50
_NC = 2
_NS = 16
_NW = _NC * _NS
_B_PER_W = _B // _NW
_HC = 5
_NHC = _H // _HC
_NBB = _B_PER_W // 128
_SZ = _HC * 128
_S_PER_W = _NHC * _NBB
_NB = 2

_mesh = plsc.VectorSubcoreMesh(core_axis_name="c", subcore_axis_name="s")


@functools.partial(
    pl.kernel,
    out_type=jax.ShapeDtypeStruct((_H, _D // 8, _B // 128, 8, 128),
                                  jnp.float32),
    mesh=_mesh,
    compiler_params=pltpu.CompilerParams(use_tc_tiling_on_sc=False,
                                         needs_layout_passes=False),
    scratch_types=(
        [pltpu.VMEM((_SZ,), jnp.int32) for _ in range(_NB)]
        + [
            pltpu.VMEM((_B_PER_W * _H,), jnp.int32),
            pltpu.VMEM((_NB, _SZ, _D), jnp.float32),
            pltpu.VMEM((_NB, _HC, _D // 8, 8, 128), jnp.float32),
            pltpu.SemaphoreType.DMA,
            pltpu.SemaphoreType.DMA((_NB,)),
            pltpu.SemaphoreType.DMA((_NB,)),
        ]
    ),
)
def _gather_kernel(idx_hbm, table_hbm, out_hbm, *scr):
    off_b = scr[:_NB]
    idx_v, rows_2d, tv, sem_i, sem_g, sem_o = scr[_NB:]
    wid = lax.axis_index("s") * _NC + lax.axis_index("c")

    pltpu.async_copy(
        idx_hbm.at[pl.ds(wid * _B_PER_W * _H, _B_PER_W * _H)], idx_v,
        sem_i).wait()

    lanes = lax.broadcasted_iota(jnp.int32, (16,), 0)
    lanes_h = lanes * _H
    lanes_d = lanes * _D

    def gather_cp(j):
        return pltpu.make_async_copy(
            table_hbm.at[off_b[j]], rows_2d.at[j], sem_g.at[j])

    def out_cp(s, j):
        hc = s // _NBB
        bbg = wid * _NBB + lax.rem(s, _NBB)
        return pltpu.make_async_copy(
            tv.at[j],
            out_hbm.at[pl.ds(hc * _HC, _HC), pl.ds(0, _D // 8), bbg],
            sem_o.at[j])

    def build_offsets(s, j):
        hc = s // _NBB
        bb = lax.rem(s, _NBB)
        base = bb * 128 * _H + hc * _HC
        @plsc.parallel_loop(0, _HC * 8, unroll=4)
        def o_body(t):
            ho = t // 8
            bl0 = lax.rem(t, 8) * 16
            src = lanes_h + (bl0 * _H + base + ho)
            off_b[j][pl.ds(ho * 128 + bl0, 16)] = plsc.load_gather(
                idx_v, [src])

    def transpose(j):
        @plsc.parallel_loop(0, _HC * (_D // 8), unroll=4)
        def t_body(t):
            ho = t // (_D // 8)
            fb = lax.rem(t, _D // 8)
            base = ho * 128
            cols = jnp.full((16,), fb * 8, jnp.int32)
            for fs in range(8):
                for bl0 in range(0, 128, 16):
                    rows = lanes + (base + bl0)
                    tv[j, ho, fb, fs, pl.ds(bl0, 16)] = plsc.load_gather(
                        rows_2d.at[j], [rows, cols + fs])

    def body(i, carry):
        s0 = _NB * i
        for j in range(_NB):
            @pl.when(i > 0)
            def _(j=j, s=s0 + j):
                out_cp(s - _NB, j).wait()
            build_offsets(s0 + j, j)
            gather_cp(j).start()
        for j in range(_NB):
            gather_cp(j).wait()
            out_cp(s0 + j, j).start()
        return carry

    lax.fori_loop(0, _S_PER_W // _NB, body, 0)
    for j in range(_NB):
        out_cp(_S_PER_W - _NB + j, j).wait()


def kernel(x, emb_weight):
    idx = x.reshape(-1).astype(jnp.int32)
    out = _gather_kernel(idx, emb_weight)
    out = out.transpose(2, 4, 0, 1, 3)
    return out.reshape(x.shape + (emb_weight.shape[1],))

# --- scband reference (transcript-rebuilt; emitter-appended) ---
"""Pipeline reference for scband-sludecoder-embedding-wrapper-48112223650394 (READ-ONLY COPY).

The authoritative reference and input builder live on the scoring server;
editing this copy changes nothing except your own understanding.
"""

import jax, jax.numpy as jnp
import numpy as np

VOCAB = 1000000
EMBED_DIM = 32
BATCH = 16384
HIST = 50

def setup_inputs(seed: int = 0) -> dict:
    key = jax.random.key(seed)
    k_idx, k_tab = jax.random.split(key)
    x = jax.random.randint(k_idx, (BATCH, HIST), 0, VOCAB, dtype=jnp.int64)
    emb_weight = jax.random.normal(k_tab, (VOCAB, EMBED_DIM), dtype=jnp.float32)
    return {"x": x, "emb_weight": emb_weight}

def reference(x, emb_weight):
    # SLUDecoderEmbeddingWrapper.forward: self.embedding(x)
    # nn.Embedding lookup == row gather from the table
    return jnp.take(emb_weight, x, axis=0)

if __name__ == "__main__":
    import jax
    _d = setup_inputs()
    print(jax.jit(kernel)(*tuple(_d.values())))

</pallas_src>

<mosaic_0001>
#map = affine_map<(d0, d1) -> (0)>
#map1 = affine_map<(d0, d1) -> (0, 0)>
#map2 = affine_map<(d0, d1) -> (0, 0, 0, 0, 0)>
module attributes {stable_mosaic.version = 14 : i64} {
  func.func @_gather_kernel(%arg0: i32, %arg1: i32, %arg2: memref<819200xi32, #tpu.memory_space<hbm>>, %arg3: memref<1000000x32xf32, #tpu.memory_space<hbm>>, %arg4: memref<50x4x128x8x128xf32, #tpu.memory_space<hbm>>, %arg5: memref<640xi32, #tpu.memory_space<vmem>>, %arg6: memref<640xi32, #tpu.memory_space<vmem>>, %arg7: memref<25600xi32, #tpu.memory_space<vmem>>, %arg8: memref<2x640x32xf32, #tpu.memory_space<vmem>>, %arg9: memref<2x5x4x8x128xf32, #tpu.memory_space<vmem>>, %arg10: memref<!tpu.dma_semaphore, #tpu.memory_space<semaphore_mem>>, %arg11: memref<2x!tpu.dma_semaphore, #tpu.memory_space<semaphore_mem>>, %arg12: memref<2x!tpu.dma_semaphore, #tpu.memory_space<semaphore_mem>>) attributes {dimension_semantics = [#tpu.dimension_semantics<core_parallel>, #tpu.dimension_semantics<subcore_parallel>], iteration_bounds = array<i64: 2, 16>, scalar_prefetch = 0 : i64, scratch_operands = 8 : i64, tpu.core_type = #tpu.core_type<sc_vector_subcore>, window_params = [{transform_indices = #map}, {transform_indices = #map1}, {transform_indices = #map2}]} {
    %mul3A = arith.constant 2 : i32
    %mul3A_0 = arith.muli %arg1, %mul3A : i32
    %add3A = arith.addi %mul3A_0, %arg0 : i32
    %mul3A_1 = arith.constant 512 : i32
    %mul3A_2 = arith.muli %add3A, %mul3A_1 : i32
    %mul3A_3 = arith.constant 50 : i32
    %mul3A_4 = arith.muli %mul3A_2, %mul3A_3 : i32
    %dma_start3A = tpu.memref_slice %arg2[%mul3A_4] : memref<819200xi32, #tpu.memory_space<hbm>> -> memref<25600xi32, #tpu.memory_space<hbm>>
    %dma_start3A_5 = tpu.memref_slice %arg2[%mul3A_4] : memref<819200xi32, #tpu.memory_space<hbm>> -> memref<25600xi32, #tpu.memory_space<hbm>>
    tpu.enqueue_dma source(%dma_start3A_5 : memref<25600xi32, #tpu.memory_space<hbm>>) target(%arg7 : memref<25600xi32, #tpu.memory_space<vmem>>) target_semaphore(%arg10 : memref<!tpu.dma_semaphore, #tpu.memory_space<semaphore_mem>>)
    %dma_wait3A = tpu.memref_slice %arg2[%mul3A_4] : memref<819200xi32, #tpu.memory_space<hbm>> -> memref<25600xi32, #tpu.memory_space<hbm>>
    %dma_wait3A_6 = tpu.memref_slice %arg2[%mul3A_4] : memref<819200xi32, #tpu.memory_space<hbm>> -> memref<25600xi32, #tpu.memory_space<hbm>>
    tpu.wait_dma2 semaphore(%arg10 : memref<!tpu.dma_semaphore, #tpu.memory_space<semaphore_mem>>) src(%dma_wait3A_6 : memref<25600xi32, #tpu.memory_space<hbm>>) dst(%arg7 : memref<25600xi32, #tpu.memory_space<vmem>>)
    %iota3A = tpu.iota {dimensions = array<i32: 0>} : vector<16xi32>
    %mul3A_7 = arith.constant 50 : i32
    %mul3A_8 = vector.broadcast %mul3A_7 : i32 to vector<16xi32>
    %mul3A_9 = arith.muli %iota3A, %mul3A_8 : vector<16xi32>
    %mul3A_10 = arith.constant 32 : i32
    %mul3A_11 = vector.broadcast %mul3A_10 : i32 to vector<16xi32>
    %mul3A_12 = arith.muli %iota3A, %mul3A_11 : vector<16xi32>
    %scan3A = arith.constant 0 : i32
    %scan3A_13 = arith.constant 0 : i32
    %scan3A_14 = arith.constant 20 : i32
    %scan3A_15 = arith.addi %scan3A_13, %scan3A_14 : i32
    %scan3A_16 = arith.constant 1 : i32
    scf.for %scan3A_85 = %scan3A_13 to %scan3A_15 step %scan3A_16  : i32 {
      %mul3A_86 = arith.constant 2 : i32
      %mul3A_87 = arith.muli %mul3A_86, %scan3A_85 : i32
      %gt3A = arith.constant 0 : i32
      %gt3A_88 = arith.cmpi sgt, %scan3A_85, %gt3A : i32
      %add3A_89 = arith.constant 0 : i32
      %add3A_90 = arith.addi %mul3A_87, %add3A_89 : i32
      %convert_element_type3A = arith.extui %gt3A_88 : i1 to i32
      %cond3A = arith.constant 0 : i32
      %cond3A_91 = arith.cmpi ne, %convert_element_type3A, %cond3A : i32
      scf.if %cond3A_91 {
        %sub3A_329 = arith.constant 2 : i32
        %sub3A_330 = arith.subi %add3A_90, %sub3A_329 : i32
        %jit3A_331 = arith.constant 4 : i32
        %div3A_332 = arith.divsi %sub3A_330, %jit3A_331 : i32
        %sign3A_333 = arith.constant 0 : i32
        %sign3A_334 = arith.cmpi sgt, %sub3A_330, %sign3A_333 : i32
        %sign3A_335 = arith.extui %sign3A_334 : i1 to i32
        %sign3A_336 = arith.constant 0 : i32
        %sign3A_337 = arith.cmpi slt, %sub3A_330, %sign3A_336 : i32
        %sign3A_338 = arith.extui %sign3A_337 : i1 to i32
        %sign3A_339 = arith.subi %sign3A_335, %sign3A_338 : i32
        %sign3A_340 = arith.constant 0 : i32
        %sign3A_341 = arith.cmpi sgt, %jit3A_331, %sign3A_340 : i32
        %sign3A_342 = arith.extui %sign3A_341 : i1 to i32
        %sign3A_343 = arith.constant 0 : i32
        %sign3A_344 = arith.cmpi slt, %jit3A_331, %sign3A_343 : i32
        %sign3A_345 = arith.extui %sign3A_344 : i1 to i32
        %sign3A_346 = arith.subi %sign3A_342, %sign3A_345 : i32
        %ne3A_347 = arith.cmpi ne, %sign3A_339, %sign3A_346 : i32
        %rem3A_348 = arith.remsi %sub3A_330, %jit3A_331 : i32
        %ne3A_349 = arith.constant 0 : i32
        %ne3A_350 = arith.cmpi ne, %rem3A_348, %ne3A_349 : i32
        %and3A_351 = arith.andi %ne3A_347, %ne3A_350 : i1
        %sub3A_352 = arith.constant 1 : i32
        %sub3A_353 = arith.subi %div3A_332, %sub3A_352 : i32
        %select_n3A_354 = arith.select %and3A_351, %sub3A_353, %div3A_332 : i32
        %mul3A_355 = arith.constant 4 : i32
        %mul3A_356 = arith.muli %add3A, %mul3A_355 : i32
        %rem3A_357 = arith.constant 4 : i32
        %rem3A_358 = arith.remsi %sub3A_330, %rem3A_357 : i32
        %add3A_359 = arith.addi %mul3A_356, %rem3A_358 : i32
        %mul3A_360 = arith.constant 5 : i32
        %mul3A_361 = arith.muli %select_n3A_354, %mul3A_360 : i32
        %dma_wait3A_362 = arith.constant 0 : i32
        %dma_wait3A_363 = arith.constant 0 : i32
        %dma_wait3A_364 = arith.constant 0 : i32
        %dma_wait3A_365 = arith.constant 0 : i32
        %dma_wait3A_366 = arith.constant 0 : i32
        %dma_wait3A_367 = arith.constant 0 : i32
        %dma_wait3A_368 = tpu.memref_slice %arg9[%dma_wait3A_362, %dma_wait3A_364, %dma_wait3A_365, %dma_wait3A_366, %dma_wait3A_367] : memref<2x5x4x8x128xf32, #tpu.memory_space<vmem>> -> memref<1x5x4x8x128xf32, #tpu.memory_space<vmem>>
        %dma_wait3A_369 = tpu.memref_squeeze %dma_wait3A_368 : memref<1x5x4x8x128xf32, #tpu.memory_space<vmem>> -> memref<5x4x8x128xf32, #tpu.memory_space<vmem>>
        %dma_wait3A_370 = arith.constant 0 : i32
        %dma_wait3A_371 = arith.constant 0 : i32
        %dma_wait3A_372 = arith.constant 0 : i32
        %dma_wait3A_373 = tpu.memref_slice %arg4[%mul3A_361, %dma_wait3A_370, %add3A_359, %dma_wait3A_371, %dma_wait3A_372] : memref<50x4x128x8x128xf32, #tpu.memory_space<hbm>> -> memref<5x4x1x8x128xf32, #tpu.memory_space<hbm>>
        %dma_wait3A_374 = tpu.memref_squeeze %dma_wait3A_373 : memref<5x4x1x8x128xf32, #tpu.memory_space<hbm>> -> memref<5x4x8x128xf32, #tpu.memory_space<hbm>>
        %dma_wait3A_375 = tpu.memref_slice %arg12[%dma_wait3A_363] : memref<2x!tpu.dma_semaphore, #tpu.memory_space<semaphore_mem>> -> memref<1x!tpu.dma_semaphore, #tpu.memory_space<semaphore_mem>>
        %dma_wait3A_376 = tpu.memref_squeeze %dma_wait3A_375 : memref<1x!tpu.dma_semaphore, #tpu.memory_space<semaphore_mem>> -> memref<!tpu.dma_semaphore, #tpu.memory_space<semaphore_mem>>
        %dma_wait3A_377 = arith.constant 0 : i32
        %dma_wait3A_378 = arith.constant 0 : i32
        %dma_wait3A_379 = arith.constant 0 : i32
        %dma_wait3A_380 = tpu.memref_slice %arg4[%mul3A_361, %dma_wait3A_377, %add3A_359, %dma_wait3A_378, %dma_wait3A_379] : memref<50x4x128x8x128xf32, #tpu.memory_space<hbm>> -> memref<5x4x1x8x128xf32, #tpu.memory_space<hbm>>
        %dma_wait3A_381 = tpu.memref_squeeze %dma_wait3A_380 : memref<5x4x1x8x128xf32, #tpu.memory_space<hbm>> -> memref<5x4x8x128xf32, #tpu.memory_space<hbm>>
        %dma_wait3A_382 = arith.constant 0 : i32
        %dma_wait3A_383 = arith.constant 0 : i32
        %dma_wait3A_384 = arith.constant 0 : i32
        %dma_wait3A_385 = arith.constant 0 : i32
        %dma_wait3A_386 = tpu.memref_slice %arg9[%dma_wait3A_362, %dma_wait3A_382, %dma_wait3A_383, %dma_wait3A_384, %dma_wait3A_385] : memref<2x5x4x8x128xf32, #tpu.memory_space<vmem>> -> memref<1x5x4x8x128xf32, #tpu.memory_space<vmem>>
        %dma_wait3A_387 = tpu.memref_squeeze %dma_wait3A_386 : memref<1x5x4x8x128xf32, #tpu.memory_space<vmem>> -> memref<5x4x8x128xf32, #tpu.memory_space<vmem>>
        tpu.wait_dma2 semaphore(%dma_wait3A_376 : memref<!tpu.dma_semaphore, #tpu.memory_space<semaphore_mem>>) src(%dma_wait3A_387 : memref<5x4x8x128xf32, #tpu.memory_space<vmem>>) dst(%dma_wait3A_381 : memref<5x4x8x128xf32, #tpu.memory_space<hbm>>)
      } else {
      }
      %add3A_92 = arith.constant 0 : i32
      %add3A_93 = arith.addi %mul3A_87, %add3A_92 : i32
      %jit3A = arith.constant 4 : i32
      %div3A = arith.divsi %add3A_93, %jit3A : i32
      %sign3A = arith.constant 0 : i32
      %sign3A_94 = arith.cmpi sgt, %add3A_93, %sign3A : i32
      %sign3A_95 = arith.extui %sign3A_94 : i1 to i32
      %sign3A_96 = arith.constant 0 : i32
      %sign3A_97 = arith.cmpi slt, %add3A_93, %sign3A_96 : i32
      %sign3A_98 = arith.extui %sign3A_97 : i1 to i32
      %sign3A_99 = arith.subi %sign3A_95, %sign3A_98 : i32
      %sign3A_100 = arith.constant 0 : i32
      %sign3A_101 = arith.cmpi sgt, %jit3A, %sign3A_100 : i32
      %sign3A_102 = arith.extui %sign3A_101 : i1 to i32
      %sign3A_103 = arith.constant 0 : i32
      %sign3A_104 = arith.cmpi slt, %jit3A, %sign3A_103 : i32
      %sign3A_105 = arith.extui %sign3A_104 : i1 to i32
      %sign3A_106 = arith.subi %sign3A_102, %sign3A_105 : i32
      %ne3A = arith.cmpi ne, %sign3A_99, %sign3A_106 : i32
      %rem3A_107 = arith.remsi %add3A_93, %jit3A : i32
      %ne3A_108 = arith.constant 0 : i32
      %ne3A_109 = arith.cmpi ne, %rem3A_107, %ne3A_108 : i32
      %and3A = arith.andi %ne3A, %ne3A_109 : i1
      %sub3A = arith.constant 1 : i32
      %sub3A_110 = arith.subi %div3A, %sub3A : i32
      %select_n3A = arith.select %and3A, %sub3A_110, %div3A : i32
      %rem3A_111 = arith.constant 4 : i32
      %rem3A_112 = arith.remsi %add3A_93, %rem3A_111 : i32
      %mul3A_113 = arith.constant 128 : i32
      %mul3A_114 = arith.muli %rem3A_112, %mul3A_113 : i32
      %mul3A_115 = arith.constant 50 : i32
      %mul3A_116 = arith.muli %mul3A_114, %mul3A_115 : i32
      %mul3A_117 = arith.constant 5 : i32
      %mul3A_118 = arith.muli %select_n3A, %mul3A_117 : i32
      %add3A_119 = arith.addi %mul3A_116, %mul3A_118 : i32
      %parallel_loop3A = arith.constant 0 : i32
      %parallel_loop3A_120 = arith.constant 40 : i32
      %parallel_loop3A_121 = arith.constant 1 : i32
      scf.for %parallel_loop3A_329 = %parallel_loop3A to %parallel_loop3A_120 step %parallel_loop3A_121  : i32 {
        %parallel_loop3A_330 = arith.constant 8 : i32
        %parallel_loop3A_331 = arith.divsi %parallel_loop3A_329, %parallel_loop3A_330 : i32
        %parallel_loop3A_332 = arith.constant 0 : i32
        %parallel_loop3A_333 = arith.cmpi sgt, %parallel_loop3A_329, %parallel_loop3A_332 : i32
        %parallel_loop3A_334 = arith.extui %parallel_loop3A_333 : i1 to i32
        %parallel_loop3A_335 = arith.constant 0 : i32
        %parallel_loop3A_336 = arith.cmpi slt, %parallel_loop3A_329, %parallel_loop3A_335 : i32
        %parallel_loop3A_337 = arith.extui %parallel_loop3A_336 : i1 to i32
        %parallel_loop3A_338 = arith.subi %parallel_loop3A_334, %parallel_loop3A_337 : i32
        %parallel_loop3A_339 = arith.constant 0 : i32
        %parallel_loop3A_340 = arith.cmpi sgt, %parallel_loop3A_330, %parallel_loop3A_339 : i32
        %parallel_loop3A_341 = arith.extui %parallel_loop3A_340 : i1 to i32
        %parallel_loop3A_342 = arith.constant 0 : i32
        %parallel_loop3A_343 = arith.cmpi slt, %parallel_loop3A_330, %parallel_loop3A_342 : i32
        %parallel_loop3A_344 = arith.extui %parallel_loop3A_343 : i1 to i32
        %parallel_loop3A_345 = arith.subi %parallel_loop3A_341, %parallel_loop3A_344 : i32
        %parallel_loop3A_346 = arith.cmpi ne, %parallel_loop3A_338, %parallel_loop3A_345 : i32
        %parallel_loop3A_347 = arith.remsi %parallel_loop3A_329, %parallel_loop3A_330 : i32
        %parallel_loop3A_348 = arith.constant 0 : i32
        %parallel_loop3A_349 = arith.cmpi ne, %parallel_loop3A_347, %parallel_loop3A_348 : i32
        %parallel_loop3A_350 = arith.andi %parallel_loop3A_346, %parallel_loop3A_349 : i1
        %parallel_loop3A_351 = arith.constant 1 : i32
        %parallel_loop3A_352 = arith.subi %parallel_loop3A_331, %parallel_loop3A_351 : i32
        %parallel_loop3A_353 = arith.select %parallel_loop3A_350, %parallel_loop3A_352, %parallel_loop3A_331 : i32
        %parallel_loop3A_354 = arith.constant 8 : i32
        %parallel_loop3A_355 = arith.remsi %parallel_loop3A_329, %parallel_loop3A_354 : i32
        %parallel_loop3A_356 = arith.constant 16 : i32
        %parallel_loop3A_357 = arith.muli %parallel_loop3A_355, %parallel_loop3A_356 : i32
        %parallel_loop3A_358 = arith.constant 50 : i32
        %parallel_loop3A_359 = arith.muli %parallel_loop3A_357, %parallel_loop3A_358 : i32
        %parallel_loop3A_360 = arith.addi %parallel_loop3A_359, %add3A_119 : i32
        %parallel_loop3A_361 = arith.addi %parallel_loop3A_360, %parallel_loop3A_353 : i32
        %parallel_loop3A_362 = vector.broadcast %parallel_loop3A_361 : i32 to vector<16xi32>
        %parallel_loop3A_363 = arith.addi %mul3A_9, %parallel_loop3A_362 : vector<16xi32>
        %parallel_loop3A_364 = tpu.vector_load_idx %arg7[%parallel_loop3A_363] : memref<25600xi32, #tpu.memory_space<vmem>>[vector<16xi32>], vector<16xi32>,
        %parallel_loop3A_365 = arith.constant 128 : i32
        %parallel_loop3A_366 = arith.muli %parallel_loop3A_353, %parallel_loop3A_365 : i32
        %parallel_loop3A_367 = arith.addi %parallel_loop3A_366, %parallel_loop3A_357 : i32
        %parallel_loop3A_368 = arith.index_cast %parallel_loop3A_367 : i32 to index
        %parallel_loop3A_369 = tpu.vector_load %arg5[%parallel_loop3A_368] {strides = array<i32>} : memref<640xi32, #tpu.memory_space<vmem>>, vector<16xi32>,
        tpu.vector_store %arg5[%parallel_loop3A_368], %parallel_loop3A_364 {strides = array<i32>} : memref<640xi32, #tpu.memory_space<vmem>>, vector<16xi32>,
      } {sc.loop_unroll_factor = 4 : i64, sc.parallel_access}
      %dma_start3A_122 = arith.constant 0 : i32
      %dma_start3A_123 = arith.constant 0 : i32
      %dma_start3A_124 = arith.constant 0 : i32
      %dma_start3A_125 = arith.constant 0 : i32
      %dma_start3A_126 = tpu.memref_slice %arg8[%dma_start3A_122, %dma_start3A_124, %dma_start3A_125] : memref<2x640x32xf32, #tpu.memory_space<vmem>> -> memref<1x640x32xf32, #tpu.memory_space<vmem>>
      %dma_start3A_127 = tpu.memref_squeeze %dma_start3A_126 : memref<1x640x32xf32, #tpu.memory_space<vmem>> -> memref<640x32xf32, #tpu.memory_space<vmem>>
      %dma_start3A_128 = arith.constant 0 : i32
      %dma_start3A_129 = arith.constant 0 : i32
      %dma_start3A_130 = tpu.memref_slice %arg3[%dma_start3A_128, %dma_start3A_129] : memref<1000000x32xf32, #tpu.memory_space<hbm>> -> memref<1000000x32xf32, #tpu.memory_space<hbm>>
      %dma_start3A_131 = tpu.memref_slice %arg11[%dma_start3A_123] : memref<2x!tpu.dma_semaphore, #tpu.memory_space<semaphore_mem>> -> memref<1x!tpu.dma_semaphore, #tpu.memory_space<semaphore_mem>>
      %dma_start3A_132 = tpu.memref_squeeze %dma_start3A_131 : memref<1x!tpu.dma_semaphore, #tpu.memory_space<semaphore_mem>> -> memref<!tpu.dma_semaphore, #tpu.memory_space<semaphore_mem>>
      tpu.enqueue_indirect_dma source(%dma_start3A_130 : memref<1000000x32xf32, #tpu.memory_space<hbm>>) target(%dma_start3A_127 : memref<640x32xf32, #tpu.memory_space<vmem>>) offsets(%arg5 : memref<640xi32, #tpu.memory_space<vmem>>) semaphore(%dma_start3A_132 : memref<!tpu.dma_semaphore, #tpu.memory_space<semaphore_mem>>)
      %gt3A_133 = arith.constant 0 : i32
      %gt3A_134 = arith.cmpi sgt, %scan3A_85, %gt3A_133 : i32
      %add3A_135 = arith.constant 1 : i32
      %add3A_136 = arith.addi %mul3A_87, %add3A_135 : i32
      %convert_element_type3A_137 = arith.extui %gt3A_134 : i1 to i32
      %cond3A_138 = arith.constant 0 : i32
      %cond3A_139 = arith.cmpi ne, %convert_element_type3A_137, %cond3A_138 : i32
      scf.if %cond3A_139 {
        %sub3A_329 = arith.constant 2 : i32
        %sub3A_330 = arith.subi %add3A_136, %sub3A_329 : i32
        %jit3A_331 = arith.constant 4 : i32
        %div3A_332 = arith.divsi %sub3A_330, %jit3A_331 : i32
        %sign3A_333 = arith.constant 0 : i32
        %sign3A_334 = arith.cmpi sgt, %sub3A_330, %sign3A_333 : i32
        %sign3A_335 = arith.extui %sign3A_334 : i1 to i32
        %sign3A_336 = arith.constant 0 : i32
        %sign3A_337 = arith.cmpi slt, %sub3A_330, %sign3A_336 : i32
        %sign3A_338 = arith.extui %sign3A_337 : i1 to i32
        %sign3A_339 = arith.subi %sign3A_335, %sign3A_338 : i32
        %sign3A_340 = arith.constant 0 : i32
        %sign3A_341 = arith.cmpi sgt, %jit3A_331, %sign3A_340 : i32
        %sign3A_342 = arith.extui %sign3A_341 : i1 to i32
        %sign3A_343 = arith.constant 0 : i32
        %sign3A_344 = arith.cmpi slt, %jit3A_331, %sign3A_343 : i32
        %sign3A_345 = arith.extui %sign3A_344 : i1 to i32
        %sign3A_346 = arith.subi %sign3A_342, %sign3A_345 : i32
        %ne3A_347 = arith.cmpi ne, %sign3A_339, %sign3A_346 : i32
        %rem3A_348 = arith.remsi %sub3A_330, %jit3A_331 : i32
        %ne3A_349 = arith.constant 0 : i32
        %ne3A_350 = arith.cmpi ne, %rem3A_348, %ne3A_349 : i32
        %and3A_351 = arith.andi %ne3A_347, %ne3A_350 : i1
        %sub3A_352 = arith.constant 1 : i32
        %sub3A_353 = arith.subi %div3A_332, %sub3A_352 : i32
        %select_n3A_354 = arith.select %and3A_351, %sub3A_353, %div3A_332 : i32
        %mul3A_355 = arith.constant 4 : i32
        %mul3A_356 = arith.muli %add3A, %mul3A_355 : i32
        %rem3A_357 = arith.constant 4 : i32
        %rem3A_358 = arith.remsi %sub3A_330, %rem3A_357 : i32
        %add3A_359 = arith.addi %mul3A_356, %rem3A_358 : i32
        %mul3A_360 = arith.constant 5 : i32
        %mul3A_361 = arith.muli %select_n3A_354, %mul3A_360 : i32
        %dma_wait3A_362 = arith.constant 1 : i32
        %dma_wait3A_363 = arith.constant 1 : i32
        %dma_wait3A_364 = arith.constant 0 : i32
        %dma_wait3A_365 = arith.constant 0 : i32
        %dma_wait3A_366 = arith.constant 0 : i32
        %dma_wait3A_367 = arith.constant 0 : i32
        %dma_wait3A_368 = tpu.memref_slice %arg9[%dma_wait3A_362, %dma_wait3A_364, %dma_wait3A_365, %dma_wait3A_366, %dma_wait3A_367] : memref<2x5x4x8x128xf32, #tpu.memory_space<vmem>> -> memref<1x5x4x8x128xf32, #tpu.memory_space<vmem>>
        %dma_wait3A_369 = tpu.memref_squeeze %dma_wait3A_368 : memref<1x5x4x8x128xf32, #tpu.memory_space<vmem>> -> memref<5x4x8x128xf32, #tpu.memory_space<vmem>>
        %dma_wait3A_370 = arith.constant 0 : i32
        %dma_wait3A_371 = arith.constant 0 : i32
        %dma_wait3A_372 = arith.constant 0 : i32
        %dma_wait3A_373 = tpu.memref_slice %arg4[%mul3A_361, %dma_wait3A_370, %add3A_359, %dma_wait3A_371, %dma_wait3A_372] : memref<50x4x128x8x128xf32, #tpu.memory_space<hbm>> -> memref<5x4x1x8x128xf32, #tpu.memory_space<hbm>>
        %dma_wait3A_374 = tpu.memref_squeeze %dma_wait3A_373 : memref<5x4x1x8x128xf32, #tpu.memory_space<hbm>> -> memref<5x4x8x128xf32, #tpu.memory_space<hbm>>
        %dma_wait3A_375 = tpu.memref_slice %arg12[%dma_wait3A_363] : memref<2x!tpu.dma_semaphore, #tpu.memory_space<semaphore_mem>> -> memref<1x!tpu.dma_semaphore, #tpu.memory_space<semaphore_mem>>
        %dma_wait3A_376 = tpu.memref_squeeze %dma_wait3A_375 : memref<1x!tpu.dma_semaphore, #tpu.memory_space<semaphore_mem>> -> memref<!tpu.dma_semaphore, #tpu.memory_space<semaphore_mem>>
        %dma_wait3A_377 = arith.constant 0 : i32
        %dma_wait3A_378 = arith.constant 0 : i32
        %dma_wait3A_379 = arith.constant 0 : i32
        %dma_wait3A_380 = tpu.memref_slice %arg4[%mul3A_361, %dma_wait3A_377, %add3A_359, %dma_wait3A_378, %dma_wait3A_379] : memref<50x4x128x8x128xf32, #tpu.memory_space<hbm>> -> memref<5x4x1x8x128xf32, #tpu.memory_space<hbm>>
        %dma_wait3A_381 = tpu.memref_squeeze %dma_wait3A_380 : memref<5x4x1x8x128xf32, #tpu.memory_space<hbm>> -> memref<5x4x8x128xf32, #tpu.memory_space<hbm>>
        %dma_wait3A_382 = arith.constant 0 : i32
        %dma_wait3A_383 = arith.constant 0 : i32
        %dma_wait3A_384 = arith.constant 0 : i32
        %dma_wait3A_385 = arith.constant 0 : i32
        %dma_wait3A_386 = tpu.memref_slice %arg9[%dma_wait3A_362, %dma_wait3A_382, %dma_wait3A_383, %dma_wait3A_384, %dma_wait3A_385] : memref<2x5x4x8x128xf32, #tpu.memory_space<vmem>> -> memref<1x5x4x8x128xf32, #tpu.memory_space<vmem>>
        %dma_wait3A_387 = tpu.memref_squeeze %dma_wait3A_386 : memref<1x5x4x8x128xf32, #tpu.memory_space<vmem>> -> memref<5x4x8x128xf32, #tpu.memory_space<vmem>>
        tpu.wait_dma2 semaphore(%dma_wait3A_376 : memref<!tpu.dma_semaphore, #tpu.memory_space<semaphore_mem>>) src(%dma_wait3A_387 : memref<5x4x8x128xf32, #tpu.memory_space<vmem>>) dst(%dma_wait3A_381 : memref<5x4x8x128xf32, #tpu.memory_space<hbm>>)
      } else {
      }
      %add3A_140 = arith.constant 1 : i32
      %add3A_141 = arith.addi %mul3A_87, %add3A_140 : i32
      %jit3A_142 = arith.constant 4 : i32
      %div3A_143 = arith.divsi %add3A_141, %jit3A_142 : i32
      %sign3A_144 = arith.constant 0 : i32
      %sign3A_145 = arith.cmpi sgt, %add3A_141, %sign3A_144 : i32
      %sign3A_146 = arith.extui %sign3A_145 : i1 to i32
      %sign3A_147 = arith.constant 0 : i32
      %sign3A_148 = arith.cmpi slt, %add3A_141, %sign3A_147 : i32
      %sign3A_149 = arith.extui %sign3A_148 : i1 to i32
      %sign3A_150 = arith.subi %sign3A_146, %sign3A_149 : i32
      %sign3A_151 = arith.constant 0 : i32
      %sign3A_152 = arith.cmpi sgt, %jit3A_142, %sign3A_151 : i32
      %sign3A_153 = arith.extui %sign3A_152 : i1 to i32
      %sign3A_154 = arith.constant 0 : i32
      %sign3A_155 = arith.cmpi slt, %jit3A_142, %sign3A_154 : i32
      %sign3A_156 = arith.extui %sign3A_155 : i1 to i32
      %sign3A_157 = arith.subi %sign3A_153, %sign3A_156 : i32
      %ne3A_158 = arith.cmpi ne, %sign3A_150, %sign3A_157 : i32
      %rem3A_159 = arith.remsi %add3A_141, %jit3A_142 : i32
      %ne3A_160 = arith.constant 0 : i32
      %ne3A_161 = arith.cmpi ne, %rem3A_159, %ne3A_160 : i32
      %and3A_162 = arith.andi %ne3A_158, %ne3A_161 : i1
      %sub3A_163 = arith.constant 1 : i32
      %sub3A_164 = arith.subi %div3A_143, %sub3A_163 : i32
      %select_n3A_165 = arith.select %and3A_162, %sub3A_164, %div3A_143 : i32
      %rem3A_166 = arith.constant 4 : i32
      %rem3A_167 = arith.remsi %add3A_141, %rem3A_166 : i32
      %mul3A_168 = arith.constant 128 : i32
      %mul3A_169 = arith.muli %rem3A_167, %mul3A_168 : i32
      %mul3A_170 = arith.constant 50 : i32
      %mul3A_171 = arith.muli %mul3A_169, %mul3A_170 : i32
      %mul3A_172 = arith.constant 5 : i32
      %mul3A_173 = arith.muli %select_n3A_165, %mul3A_172 : i32
      %add3A_174 = arith.addi %mul3A_171, %mul3A_173 : i32
      %parallel_loop3A_175 = arith.constant 0 : i32
      %parallel_loop3A_176 = arith.constant 40 : i32
      %parallel_loop3A_177 = arith.constant 1 : i32
      scf.for %parallel_loop3A_329 = %parallel_loop3A_175 to %parallel_loop3A_176 step %parallel_loop3A_177  : i32 {
        %parallel_loop3A_330 = arith.constant 8 : i32
        %parallel_loop3A_331 = arith.divsi %parallel_loop3A_329, %parallel_loop3A_330 : i32
        %parallel_loop3A_332 = arith.constant 0 : i32
        %parallel_loop3A_333 = arith.cmpi sgt, %parallel_loop3A_329, %parallel_loop3A_332 : i32
        %parallel_loop3A_334 = arith.extui %parallel_loop3A_333 : i1 to i32
        %parallel_loop3A_335 = arith.constant 0 : i32
        %parallel_loop3A_336 = arith.cmpi slt, %parallel_loop3A_329, %parallel_loop3A_335 : i32
        %parallel_loop3A_337 = arith.extui %parallel_loop3A_336 : i1 to i32
        %parallel_loop3A_338 = arith.subi %parallel_loop3A_334, %parallel_loop3A_337 : i32
        %parallel_loop3A_339 = arith.constant 0 : i32
        %parallel_loop3A_340 = arith.cmpi sgt, %parallel_loop3A_330, %parallel_loop3A_339 : i32
        %parallel_loop3A_341 = arith.extui %parallel_loop3A_340 : i1 to i32
        %parallel_loop3A_342 = arith.constant 0 : i32
        %parallel_loop3A_343 = arith.cmpi slt, %parallel_loop3A_330, %parallel_loop3A_342 : i32
        %parallel_loop3A_344 = arith.extui %parallel_loop3A_343 : i1 to i32
        %parallel_loop3A_345 = arith.subi %parallel_loop3A_341, %parallel_loop3A_344 : i32
        %parallel_loop3A_346 = arith.cmpi ne, %parallel_loop3A_338, %parallel_loop3A_345 : i32
        %parallel_loop3A_347 = arith.remsi %parallel_loop3A_329, %parallel_loop3A_330 : i32
        %parallel_loop3A_348 = arith.constant 0 : i32
        %parallel_loop3A_349 = arith.cmpi ne, %parallel_loop3A_347, %parallel_loop3A_348 : i32
        %parallel_loop3A_350 = arith.andi %parallel_loop3A_346, %parallel_loop3A_349 : i1
        %parallel_loop3A_351 = arith.constant 1 : i32
        %parallel_loop3A_352 = arith.subi %parallel_loop3A_331, %parallel_loop3A_351 : i32
        %parallel_loop3A_353 = arith.select %parallel_loop3A_350, %parallel_loop3A_352, %parallel_loop3A_331 : i32
        %parallel_loop3A_354 = arith.constant 8 : i32
        %parallel_loop3A_355 = arith.remsi %parallel_loop3A_329, %parallel_loop3A_354 : i32
        %parallel_loop3A_356 = arith.constant 16 : i32
        %parallel_loop3A_357 = arith.muli %parallel_loop3A_355, %parallel_loop3A_356 : i32
        %parallel_loop3A_358 = arith.constant 50 : i32
        %parallel_loop3A_359 = arith.muli %parallel_loop3A_357, %parallel_loop3A_358 : i32
        %parallel_loop3A_360 = arith.addi %parallel_loop3A_359, %add3A_174 : i32
        %parallel_loop3A_361 = arith.addi %parallel_loop3A_360, %parallel_loop3A_353 : i32
        %parallel_loop3A_362 = vector.broadcast %parallel_loop3A_361 : i32 to vector<16xi32>
        %parallel_loop3A_363 = arith.addi %mul3A_9, %parallel_loop3A_362 : vector<16xi32>
        %parallel_loop3A_364 = tpu.vector_load_idx %arg7[%parallel_loop3A_363] : memref<25600xi32, #tpu.memory_space<vmem>>[vector<16xi32>], vector<16xi32>,
        %parallel_loop3A_365 = arith.constant 128 : i32
        %parallel_loop3A_366 = arith.muli %parallel_loop3A_353, %parallel_loop3A_365 : i32
        %parallel_loop3A_367 = arith.addi %parallel_loop3A_366, %parallel_loop3A_357 : i32
        %parallel_loop3A_368 = arith.index_cast %parallel_loop3A_367 : i32 to index
        %parallel_loop3A_369 = tpu.vector_load %arg6[%parallel_loop3A_368] {strides = array<i32>} : memref<640xi32, #tpu.memory_space<vmem>>, vector<16xi32>,
        tpu.vector_store %arg6[%parallel_loop3A_368], %parallel_loop3A_364 {strides = array<i32>} : memref<640xi32, #tpu.memory_space<vmem>>, vector<16xi32>,
      } {sc.loop_unroll_factor = 4 : i64, sc.parallel_access}
      %dma_start3A_178 = arith.constant 1 : i32
      %dma_start3A_179 = arith.constant 1 : i32
      %dma_start3A_180 = arith.constant 0 : i32
      %dma_start3A_181 = arith.constant 0 : i32
      %dma_start3A_182 = tpu.memref_slice %arg8[%dma_start3A_178, %dma_start3A_180, %dma_start3A_181] : memref<2x640x32xf32, #tpu.memory_space<vmem>> -> memref<1x640x32xf32, #tpu.memory_space<vmem>>
      %dma_start3A_183 = tpu.memref_squeeze %dma_start3A_182 : memref<1x640x32xf32, #tpu.memory_space<vmem>> -> memref<640x32xf32, #tpu.memory_space<vmem>>
      %dma_start3A_184 = arith.constant 0 : i32
      %dma_start3A_185 = arith.constant 0 : i32
      %dma_start3A_186 = tpu.memref_slice %arg3[%dma_start3A_184, %dma_start3A_185] : memref<1000000x32xf32, #tpu.memory_space<hbm>> -> memref<1000000x32xf32, #tpu.memory_space<hbm>>
      %dma_start3A_187 = tpu.memref_slice %arg11[%dma_start3A_179] : memref<2x!tpu.dma_semaphore, #tpu.memory_space<semaphore_mem>> -> memref<1x!tpu.dma_semaphore, #tpu.memory_space<semaphore_mem>>
      %dma_start3A_188 = tpu.memref_squeeze %dma_start3A_187 : memref<1x!tpu.dma_semaphore, #tpu.memory_space<semaphore_mem>> -> memref<!tpu.dma_semaphore, #tpu.memory_space<semaphore_mem>>
      tpu.enqueue_indirect_dma source(%dma_start3A_186 : memref<1000000x32xf32, #tpu.memory_space<hbm>>) target(%dma_start3A_183 : memref<640x32xf32, #tpu.memory_space<vmem>>) offsets(%arg6 : memref<640xi32, #tpu.memory_space<vmem>>) semaphore(%dma_start3A_188 : memref<!tpu.dma_semaphore, #tpu.memory_space<semaphore_mem>>)
      %dma_wait3A_189 = arith.constant 0 : i32
      %dma_wait3A_190 = arith.constant 0 : i32
      %dma_wait3A_191 = arith.constant 0 : i32
      %dma_wait3A_192 = arith.constant 0 : i32
      %dma_wait3A_193 = tpu.memref_slice %arg8[%dma_wait3A_189, %dma_wait3A_191, %dma_wait3A_192] : memref<2x640x32xf32, #tpu.memory_space<vmem>> -> memref<1x640x32xf32, #tpu.memory_space<vmem>>
      %dma_wait3A_194 = tpu.memref_squeeze %dma_wait3A_193 : memref<1x640x32xf32, #tpu.memory_space<vmem>> -> memref<640x32xf32, #tpu.memory_space<vmem>>
      %dma_wait3A_195 = arith.constant 0 : i32
      %dma_wait3A_196 = arith.constant 0 : i32
      %dma_wait3A_197 = tpu.memref_slice %arg3[%dma_wait3A_195, %dma_wait3A_196] : memref<1000000x32xf32, #tpu.memory_space<hbm>> -> memref<1000000x32xf32, #tpu.memory_space<hbm>>
      %dma_wait3A_198 = tpu.memref_slice %arg11[%dma_wait3A_190] : memref<2x!tpu.dma_semaphore, #tpu.memory_space<semaphore_mem>> -> memref<1x!tpu.dma_semaphore, #tpu.memory_space<semaphore_mem>>
      %dma_wait3A_199 = tpu.memref_squeeze %dma_wait3A_198 : memref<1x!tpu.dma_semaphore, #tpu.memory_space<semaphore_mem>> -> memref<!tpu.dma_semaphore, #tpu.memory_space<semaphore_mem>>
      tpu.wait_indirect_dma semaphore(%dma_wait3A_199 : memref<!tpu.dma_semaphore, #tpu.memory_space<semaphore_mem>>) src(%dma_wait3A_197 : memref<1000000x32xf32, #tpu.memory_space<hbm>>) dst(%dma_wait3A_194 : memref<640x32xf32, #tpu.memory_space<vmem>>)
      %add3A_200 = arith.constant 0 : i32
      %add3A_201 = arith.addi %mul3A_87, %add3A_200 : i32
      %jit3A_202 = arith.constant 4 : i32
      %div3A_203 = arith.divsi %add3A_201, %jit3A_202 : i32
      %sign3A_204 = arith.constant 0 : i32
      %sign3A_205 = arith.cmpi sgt, %add3A_201, %sign3A_204 : i32
      %sign3A_206 = arith.extui %sign3A_205 : i1 to i32
      %sign3A_207 = arith.constant 0 : i32
      %sign3A_208 = arith.cmpi slt, %add3A_201, %sign3A_207 : i32
      %sign3A_209 = arith.extui %sign3A_208 : i1 to i32
      %sign3A_210 = arith.subi %sign3A_206, %sign3A_209 : i32
      %sign3A_211 = arith.constant 0 : i32
      %sign3A_212 = arith.cmpi sgt, %jit3A_202, %sign3A_211 : i32
      %sign3A_213 = arith.extui %sign3A_212 : i1 to i32
      %sign3A_214 = arith.constant 0 : i32
      %sign3A_215 = arith.cmpi slt, %jit3A_202, %sign3A_214 : i32
      %sign3A_216 = arith.extui %sign3A_215 : i1 to i32
      %sign3A_217 = arith.subi %sign3A_213, %sign3A_216 : i32
      %ne3A_218 = arith.cmpi ne, %sign3A_210, %sign3A_217 : i32
      %rem3A_219 = arith.remsi %add3A_201, %jit3A_202 : i32
      %ne3A_220 = arith.constant 0 : i32
      %ne3A_221 = arith.cmpi ne, %rem3A_219, %ne3A_220 : i32
      %and3A_222 = arith.andi %ne3A_218, %ne3A_221 : i1
      %sub3A_223 = arith.constant 1 : i32
      %sub3A_224 = arith.subi %div3A_203, %sub3A_223 : i32
      %select_n3A_225 = arith.select %and3A_222, %sub3A_224, %div3A_203 : i32
      %mul3A_226 = arith.constant 4 : i32
      %mul3A_227 = arith.muli %add3A, %mul3A_226 : i32
      %rem3A_228 = arith.constant 4 : i32
      %rem3A_229 = arith.remsi %add3A_201, %rem3A_228 : i32
      %add3A_230 = arith.addi %mul3A_227, %rem3A_229 : i32
      %mul3A_231 = arith.constant 5 : i32
      %mul3A_232 = arith.muli %select_n3A_225, %mul3A_231 : i32
      %dma_start3A_233 = arith.constant 0 : i32
      %dma_start3A_234 = arith.constant 0 : i32
      %dma_start3A_235 = arith.constant 0 : i32
      %dma_start3A_236 = arith.constant 0 : i32
      %dma_start3A_237 = arith.constant 0 : i32
      %dma_start3A_238 = arith.constant 0 : i32
      %dma_start3A_239 = tpu.memref_slice %arg9[%dma_start3A_233, %dma_start3A_235, %dma_start3A_236, %dma_start3A_237, %dma_start3A_238] : memref<2x5x4x8x128xf32, #tpu.memory_space<vmem>> -> memref<1x5x4x8x128xf32, #tpu.memory_space<vmem>>
      %dma_start3A_240 = tpu.memref_squeeze %dma_start3A_239 : memref<1x5x4x8x128xf32, #tpu.memory_space<vmem>> -> memref<5x4x8x128xf32, #tpu.memory_space<vmem>>
      %dma_start3A_241 = arith.constant 0 : i32
      %dma_start3A_242 = arith.constant 0 : i32
      %dma_start3A_243 = arith.constant 0 : i32
      %dma_start3A_244 = tpu.memref_slice %arg4[%mul3A_232, %dma_start3A_241, %add3A_230, %dma_start3A_242, %dma_start3A_243] : memref<50x4x128x8x128xf32, #tpu.memory_space<hbm>> -> memref<5x4x1x8x128xf32, #tpu.memory_space<hbm>>
      %dma_start3A_245 = tpu.memref_squeeze %dma_start3A_244 : memref<5x4x1x8x128xf32, #tpu.memory_space<hbm>> -> memref<5x4x8x128xf32, #tpu.memory_space<hbm>>
      %dma_start3A_246 = tpu.memref_slice %arg12[%dma_start3A_234] : memref<2x!tpu.dma_semaphore, #tpu.memory_space<semaphore_mem>> -> memref<1x!tpu.dma_semaphore, #tpu.memory_space<semaphore_mem>>
      %dma_start3A_247 = tpu.memref_squeeze %dma_start3A_246 : memref<1x!tpu.dma_semaphore, #tpu.memory_space<semaphore_mem>> -> memref<!tpu.dma_semaphore, #tpu.memory_space<semaphore_mem>>
      %dma_start3A_248 = arith.constant 0 : i32
      %dma_start3A_249 = arith.constant 0 : i32
      %dma_start3A_250 = arith.constant 0 : i32
      %dma_start3A_251 = tpu.memref_slice %arg4[%mul3A_232, %dma_start3A_248, %add3A_230, %dma_start3A_249, %dma_start3A_250] : memref<50x4x128x8x128xf32, #tpu.memory_space<hbm>> -> memref<5x4x1x8x128xf32, #tpu.memory_space<hbm>>
      %dma_start3A_252 = tpu.memref_squeeze %dma_start3A_251 : memref<5x4x1x8x128xf32, #tpu.memory_space<hbm>> -> memref<5x4x8x128xf32, #tpu.memory_space<hbm>>
      %dma_start3A_253 = arith.constant 0 : i32
      %dma_start3A_254 = arith.constant 0 : i32
      %dma_start3A_255 = arith.constant 0 : i32
      %dma_start3A_256 = arith.constant 0 : i32
      %dma_start3A_257 = tpu.memref_slice %arg9[%dma_start3A_233, %dma_start3A_253, %dma_start3A_254, %dma_start3A_255, %dma_start3A_256] : memref<2x5x4x8x128xf32, #tpu.memory_space<vmem>> -> memref<1x5x4x8x128xf32, #tpu.memory_space<vmem>>
      %dma_start3A_258 = tpu.memref_squeeze %dma_start3A_257 : memref<1x5x4x8x128xf32, #tpu.memory_space<vmem>> -> memref<5x4x8x128xf32, #tpu.memory_space<vmem>>
      tpu.enqueue_dma source(%dma_start3A_258 : memref<5x4x8x128xf32, #tpu.memory_space<vmem>>) target(%dma_start3A_252 : memref<5x4x8x128xf32, #tpu.memory_space<hbm>>) target_semaphore(%dma_start3A_247 : memref<!tpu.dma_semaphore, #tpu.memory_space<semaphore_mem>>)
      %dma_wait3A_259 = arith.constant 1 : i32
      %dma_wait3A_260 = arith.constant 1 : i32
      %dma_wait3A_261 = arith.constant 0 : i32
      %dma_wait3A_262 = arith.constant 0 : i32
      %dma_wait3A_263 = tpu.memref_slice %arg8[%dma_wait3A_259, %dma_wait3A_261, %dma_wait3A_262] : memref<2x640x32xf32, #tpu.memory_space<vmem>> -> memref<1x640x32xf32, #tpu.memory_space<vmem>>
      %dma_wait3A_264 = tpu.memref_squeeze %dma_wait3A_263 : memref<1x640x32xf32, #tpu.memory_space<vmem>> -> memref<640x32xf32, #tpu.memory_space<vmem>>
      %dma_wait3A_265 = arith.constant 0 : i32
      %dma_wait3A_266 = arith.constant 0 : i32
      %dma_wait3A_267 = tpu.memref_slice %arg3[%dma_wait3A_265, %dma_wait3A_266] : memref<1000000x32xf32, #tpu.memory_space<hbm>> -> memref<1000000x32xf32, #tpu.memory_space<hbm>>
      %dma_wait3A_268 = tpu.memref_slice %arg11[%dma_wait3A_260] : memref<2x!tpu.dma_semaphore, #tpu.memory_space<semaphore_mem>> -> memref<1x!tpu.dma_semaphore, #tpu.memory_space<semaphore_mem>>
      %dma_wait3A_269 = tpu.memref_squeeze %dma_wait3A_268 : memref<1x!tpu.dma_semaphore, #tpu.memory_space<semaphore_mem>> -> memref<!tpu.dma_semaphore, #tpu.memory_space<semaphore_mem>>
      tpu.wait_indirect_dma semaphore(%dma_wait3A_269 : memref<!tpu.dma_semaphore, #tpu.memory_space<semaphore_mem>>) src(%dma_wait3A_267 : memref<1000000x32xf32, #tpu.memory_space<hbm>>) dst(%dma_wait3A_264 : memref<640x32xf32, #tpu.memory_space<vmem>>)
      %add3A_270 = arith.constant 1 : i32
      %add3A_271 = arith.addi %mul3A_87, %add3A_270 : i32
      %jit3A_272 = arith.constant 4 : i32
      %div3A_273 = arith.divsi %add3A_271, %jit3A_272 : i32
      %sign3A_274 = arith.constant 0 : i32
      %sign3A_275 = arith.cmpi sgt, %add3A_271, %sign3A_274 : i32
      %sign3A_276 = arith.extui %sign3A_275 : i1 to i32
      %sign3A_277 = arith.constant 0 : i32
      %sign3A_278 = arith.cmpi slt, %add3A_271, %sign3A_277 : i32
      %sign3A_279 = arith.extui %sign3A_278 : i1 to i32
      %sign3A_280 = arith.subi %sign3A_276, %sign3A_279 : i32
      %sign3A_281 = arith.constant 0 : i32
      %sign3A_282 = arith.cmpi sgt, %jit3A_272, %sign3A_281 : i32
      %sign3A_283 = arith.extui %sign3A_282 : i1 to i32
      %sign3A_284 = arith.constant 0 : i32
      %sign3A_285 = arith.cmpi slt, %jit3A_272, %sign3A_284 : i32
      %sign3A_286 = arith.extui %sign3A_285 : i1 to i32
      %sign3A_287 = arith.subi %sign3A_283, %sign3A_286 : i32
      %ne3A_288 = arith.cmpi ne, %sign3A_280, %sign3A_287 : i32
      %rem3A_289 = arith.remsi %add3A_271, %jit3A_272 : i32
      %ne3A_290 = arith.constant 0 : i32
      %ne3A_291 = arith.cmpi ne, %rem3A_289, %ne3A_290 : i32
      %and3A_292 = arith.andi %ne3A_288, %ne3A_291 : i1
      %sub3A_293 = arith.constant 1 : i32
      %sub3A_294 = arith.subi %div3A_273, %sub3A_293 : i32
      %select_n3A_295 = arith.select %and3A_292, %sub3A_294, %div3A_273 : i32
      %mul3A_296 = arith.constant 4 : i32
      %mul3A_297 = arith.muli %add3A, %mul3A_296 : i32
      %rem3A_298 = arith.constant 4 : i32
      %rem3A_299 = arith.remsi %add3A_271, %rem3A_298 : i32
      %add3A_300 = arith.addi %mul3A_297, %rem3A_299 : i32
      %mul3A_301 = arith.constant 5 : i32
      %mul3A_302 = arith.muli %select_n3A_295, %mul3A_301 : i32
      %dma_start3A_303 = arith.constant 1 : i32
      %dma_start3A_304 = arith.constant 1 : i32
      %dma_start3A_305 = arith.constant 0 : i32
      %dma_start3A_306 = arith.constant 0 : i32
      %dma_start3A_307 = arith.constant 0 : i32
      %dma_start3A_308 = arith.constant 0 : i32
      %dma_start3A_309 = tpu.memref_slice %arg9[%dma_start3A_303, %dma_start3A_305, %dma_start3A_306, %dma_start3A_307, %dma_start3A_308] : memref<2x5x4x8x128xf32, #tpu.memory_space<vmem>> -> memref<1x5x4x8x128xf32, #tpu.memory_space<vmem>>
      %dma_start3A_310 = tpu.memref_squeeze %dma_start3A_309 : memref<1x5x4x8x128xf32, #tpu.memory_space<vmem>> -> memref<5x4x8x128xf32, #tpu.memory_space<vmem>>
      %dma_start3A_311 = arith.constant 0 : i32
      %dma_start3A_312 = arith.constant 0 : i32
      %dma_start3A_313 = arith.constant 0 : i32
      %dma_start3A_314 = tpu.memref_slice %arg4[%mul3A_302, %dma_start3A_311, %add3A_300, %dma_start3A_312, %dma_start3A_313] : memref<50x4x128x8x128xf32, #tpu.memory_space<hbm>> -> memref<5x4x1x8x128xf32, #tpu.memory_space<hbm>>
      %dma_start3A_315 = tpu.memref_squeeze %dma_start3A_314 : memref<5x4x1x8x128xf32, #tpu.memory_space<hbm>> -> memref<5x4x8x128xf32, #tpu.memory_space<hbm>>
      %dma_start3A_316 = tpu.memref_slice %arg12[%dma_start3A_304] : memref<2x!tpu.dma_semaphore, #tpu.memory_space<semaphore_mem>> -> memref<1x!tpu.dma_semaphore, #tpu.memory_space<semaphore_mem>>
      %dma_start3A_317 = tpu.memref_squeeze %dma_start3A_316 : memref<1x!tpu.dma_semaphore, #tpu.memory_space<semaphore_mem>> -> memref<!tpu.dma_semaphore, #tpu.memory_space<semaphore_mem>>
      %dma_start3A_318 = arith.constant 0 : i32
      %dma_start3A_319 = arith.constant 0 : i32
      %dma_start3A_320 = arith.constant 0 : i32
      %dma_start3A_321 = tpu.memref_slice %arg4[%mul3A_302, %dma_start3A_318, %add3A_300, %dma_start3A_319, %dma_start3A_320] : memref<50x4x128x8x128xf32, #tpu.memory_space<hbm>> -> memref<5x4x1x8x128xf32, #tpu.memory_space<hbm>>
      %dma_start3A_322 = tpu.memref_squeeze %dma_start3A_321 : memref<5x4x1x8x128xf32, #tpu.memory_space<hbm>> -> memref<5x4x8x128xf32, #tpu.memory_space<hbm>>
      %dma_start3A_323 = arith.constant 0 : i32
      %dma_start3A_324 = arith.constant 0 : i32
      %dma_start3A_325 = arith.constant 0 : i32
      %dma_start3A_326 = arith.constant 0 : i32
      %dma_start3A_327 = tpu.memref_slice %arg9[%dma_start3A_303, %dma_start3A_323, %dma_start3A_324, %dma_start3A_325, %dma_start3A_326] : memref<2x5x4x8x128xf32, #tpu.memory_space<vmem>> -> memref<1x5x4x8x128xf32, #tpu.memory_space<vmem>>
      %dma_start3A_328 = tpu.memref_squeeze %dma_start3A_327 : memref<1x5x4x8x128xf32, #tpu.memory_space<vmem>> -> memref<5x4x8x128xf32, #tpu.memory_space<vmem>>
      tpu.enqueue_dma source(%dma_start3A_328 : memref<5x4x8x128xf32, #tpu.memory_space<vmem>>) target(%dma_start3A_322 : memref<5x4x8x128xf32, #tpu.memory_space<hbm>>) target_semaphore(%dma_start3A_317 : memref<!tpu.dma_semaphore, #tpu.memory_space<semaphore_mem>>)
    }
    %scan3A_17 = arith.constant 20 : i32
    %mul3A_18 = arith.constant 4 : i32
    %mul3A_19 = arith.muli %add3A, %mul3A_18 : i32
    %rem3A = arith.constant 38 : i32
    %rem3A_20 = arith.constant 4 : i32
    %rem3A_21 = arith.remsi %rem3A, %rem3A_20 : i32
    %add3A_22 = arith.addi %mul3A_19, %rem3A_21 : i32
    %dma_wait3A_23 = arith.constant 0 : i32
    %dma_wait3A_24 = arith.constant 0 : i32
    %dma_wait3A_25 = arith.constant 0 : i32
    %dma_wait3A_26 = arith.constant 0 : i32
    %dma_wait3A_27 = arith.constant 0 : i32
    %dma_wait3A_28 = arith.constant 0 : i32
    %dma_wait3A_29 = tpu.memref_slice %arg9[%dma_wait3A_23, %dma_wait3A_25, %dma_wait3A_26, %dma_wait3A_27, %dma_wait3A_28] : memref<2x5x4x8x128xf32, #tpu.memory_space<vmem>> -> memref<1x5x4x8x128xf32, #tpu.memory_space<vmem>>
    %dma_wait3A_30 = tpu.memref_squeeze %dma_wait3A_29 : memref<1x5x4x8x128xf32, #tpu.memory_space<vmem>> -> memref<5x4x8x128xf32, #tpu.memory_space<vmem>>
    %dma_wait3A_31 = arith.constant 45 : i32
    %dma_wait3A_32 = arith.constant 0 : i32
    %dma_wait3A_33 = arith.constant 0 : i32
    %dma_wait3A_34 = arith.constant 0 : i32
    %dma_wait3A_35 = tpu.memref_slice %arg4[%dma_wait3A_31, %dma_wait3A_32, %add3A_22, %dma_wait3A_33, %dma_wait3A_34] : memref<50x4x128x8x128xf32, #tpu.memory_space<hbm>> -> memref<5x4x1x8x128xf32, #tpu.memory_space<hbm>>
    %dma_wait3A_36 = tpu.memref_squeeze %dma_wait3A_35 : memref<5x4x1x8x128xf32, #tpu.memory_space<hbm>> -> memref<5x4x8x128xf32, #tpu.memory_space<hbm>>
    %dma_wait3A_37 = tpu.memref_slice %arg12[%dma_wait3A_24] : memref<2x!tpu.dma_semaphore, #tpu.memory_space<semaphore_mem>> -> memref<1x!tpu.dma_semaphore, #tpu.memory_space<semaphore_mem>>
    %dma_wait3A_38 = tpu.memref_squeeze %dma_wait3A_37 : memref<1x!tpu.dma_semaphore, #tpu.memory_space<semaphore_mem>> -> memref<!tpu.dma_semaphore, #tpu.memory_space<semaphore_mem>>
    %dma_wait3A_39 = arith.constant 45 : i32
    %dma_wait3A_40 = arith.constant 0 : i32
    %dma_wait3A_41 = arith.constant 0 : i32
    %dma_wait3A_42 = arith.constant 0 : i32
    %dma_wait3A_43 = tpu.memref_slice %arg4[%dma_wait3A_39, %dma_wait3A_40, %add3A_22, %dma_wait3A_41, %dma_wait3A_42] : memref<50x4x128x8x128xf32, #tpu.memory_space<hbm>> -> memref<5x4x1x8x128xf32, #tpu.memory_space<hbm>>
    %dma_wait3A_44 = tpu.memref_squeeze %dma_wait3A_43 : memref<5x4x1x8x128xf32, #tpu.memory_space<hbm>> -> memref<5x4x8x128xf32, #tpu.memory_space<hbm>>
    %dma_wait3A_45 = arith.constant 0 : i32
    %dma_wait3A_46 = arith.constant 0 : i32
    %dma_wait3A_47 = arith.constant 0 : i32
    %dma_wait3A_48 = arith.constant 0 : i32
    %dma_wait3A_49 = tpu.memref_slice %arg9[%dma_wait3A_23, %dma_wait3A_45, %dma_wait3A_46, %dma_wait3A_47, %dma_wait3A_48] : memref<2x5x4x8x128xf32, #tpu.memory_space<vmem>> -> memref<1x5x4x8x128xf32, #tpu.memory_space<vmem>>
    %dma_wait3A_50 = tpu.memref_squeeze %dma_wait3A_49 : memref<1x5x4x8x128xf32, #tpu.memory_space<vmem>> -> memref<5x4x8x128xf32, #tpu.memory_space<vmem>>
    tpu.wait_dma2 semaphore(%dma_wait3A_38 : memref<!tpu.dma_semaphore, #tpu.memory_space<semaphore_mem>>) src(%dma_wait3A_50 : memref<5x4x8x128xf32, #tpu.memory_space<vmem>>) dst(%dma_wait3A_44 : memref<5x4x8x128xf32, #tpu.memory_space<hbm>>)
    %mul3A_51 = arith.constant 4 : i32
    %mul3A_52 = arith.muli %add3A, %mul3A_51 : i32
    %rem3A_53 = arith.constant 39 : i32
    %rem3A_54 = arith.constant 4 : i32
    %rem3A_55 = arith.remsi %rem3A_53, %rem3A_54 : i32
    %add3A_56 = arith.addi %mul3A_52, %rem3A_55 : i32
    %dma_wait3A_57 = arith.constant 1 : i32
    %dma_wait3A_58 = arith.constant 1 : i32
    %dma_wait3A_59 = arith.constant 0 : i32
    %dma_wait3A_60 = arith.constant 0 : i32
    %dma_wait3A_61 = arith.constant 0 : i32
    %dma_wait3A_62 = arith.constant 0 : i32
    %dma_wait3A_63 = tpu.memref_slice %arg9[%dma_wait3A_57, %dma_wait3A_59, %dma_wait3A_60, %dma_wait3A_61, %dma_wait3A_62] : memref<2x5x4x8x128xf32, #tpu.memory_space<vmem>> -> memref<1x5x4x8x128xf32, #tpu.memory_space<vmem>>
    %dma_wait3A_64 = tpu.memref_squeeze %dma_wait3A_63 : memref<1x5x4x8x128xf32, #tpu.memory_space<vmem>> -> memref<5x4x8x128xf32, #tpu.memory_space<vmem>>
    %dma_wait3A_65 = arith.constant 45 : i32
    %dma_wait3A_66 = arith.constant 0 : i32
    %dma_wait3A_67 = arith.constant 0 : i32
    %dma_wait3A_68 = arith.constant 0 : i32
    %dma_wait3A_69 = tpu.memref_slice %arg4[%dma_wait3A_65, %dma_wait3A_66, %add3A_56, %dma_wait3A_67, %dma_wait3A_68] : memref<50x4x128x8x128xf32, #tpu.memory_space<hbm>> -> memref<5x4x1x8x128xf32, #tpu.memory_space<hbm>>
    %dma_wait3A_70 = tpu.memref_squeeze %dma_wait3A_69 : memref<5x4x1x8x128xf32, #tpu.memory_space<hbm>> -> memref<5x4x8x128xf32, #tpu.memory_space<hbm>>
    %dma_wait3A_71 = tpu.memref_slice %arg12[%dma_wait3A_58] : memref<2x!tpu.dma_semaphore, #tpu.memory_space<semaphore_mem>> -> memref<1x!tpu.dma_semaphore, #tpu.memory_space<semaphore_mem>>
    %dma_wait3A_72 = tpu.memref_squeeze %dma_wait3A_71 : memref<1x!tpu.dma_semaphore, #tpu.memory_space<semaphore_mem>> -> memref<!tpu.dma_semaphore, #tpu.memory_space<semaphore_mem>>
    %dma_wait3A_73 = arith.constant 45 : i32
    %dma_wait3A_74 = arith.constant 0 : i32
    %dma_wait3A_75 = arith.constant 0 : i32
    %dma_wait3A_76 = arith.constant 0 : i32
    %dma_wait3A_77 = tpu.memref_slice %arg4[%dma_wait3A_73, %dma_wait3A_74, %add3A_56, %dma_wait3A_75, %dma_wait3A_76] : memref<50x4x128x8x128xf32, #tpu.memory_space<hbm>> -> memref<5x4x1x8x128xf32, #tpu.memory_space<hbm>>
    %dma_wait3A_78 = tpu.memref_squeeze %dma_wait3A_77 : memref<5x4x1x8x128xf32, #tpu.memory_space<hbm>> -> memref<5x4x8x128xf32, #tpu.memory_space<hbm>>
    %dma_wait3A_79 = arith.constant 0 : i32
    %dma_wait3A_80 = arith.constant 0 : i32
    %dma_wait3A_81 = arith.constant 0 : i32
    %dma_wait3A_82 = arith.constant 0 : i32
    %dma_wait3A_83 = tpu.memref_slice %arg9[%dma_wait3A_57, %dma_wait3A_79, %dma_wait3A_80, %dma_wait3A_81, %dma_wait3A_82] : memref<2x5x4x8x128xf32, #tpu.memory_space<vmem>> -> memref<1x5x4x8x128xf32, #tpu.memory_space<vmem>>
    %dma_wait3A_84 = tpu.memref_squeeze %dma_wait3A_83 : memref<1x5x4x8x128xf32, #tpu.memory_space<vmem>> -> memref<5x4x8x128xf32, #tpu.memory_space<vmem>>
    tpu.wait_dma2 semaphore(%dma_wait3A_72 : memref<!tpu.dma_semaphore, #tpu.memory_space<semaphore_mem>>) src(%dma_wait3A_84 : memref<5x4x8x128xf32, #tpu.memory_space<vmem>>) dst(%dma_wait3A_78 : memref<5x4x8x128xf32, #tpu.memory_space<hbm>>)
    return
  }
}

</mosaic_0001>

<sc_bundles>
// kernel: kernel.3.cloned.1.call-start
scs
__scs_entry_jumppad:
0x0: {  	(pc) =	sbr.rel $0x88, $3  }
0x1: {  	(tag) =	ssettag $0x0;
	lr =	simm.s32 $0x1  }
0x2: {  	[smem:$0x3F9F] =	sst lr;
	_ =	strace $0xD0000000  }
0x3: {  	_ = 	snop  }
0x4: {  	_ = 	snop  }
0x5: {  	_ = 	snop  }
0x6: {  	_ = 	snop  }
0x7: {  	_ = 	snop  }
__scs_overlays_trampoline_lowered:
0x8: {  	[smem:$0x3FAE] =	sst s0  }
0x9: {  	[smem:$0x3FAF] =	sst s1  }
0xa: {  	[smem:$0x3FB0] =	sst s2  }
0xb: {  	[smem:$0x3FB1] =	sst s3  }
0xc: {  	[smem:$0x3FB2] =	sst s4  }
0xd: {  	[smem:$0x3FB3] =	sst s5  }
0xe: {  	[smem:$0x3FB4] =	sst s6  }
0xf: {  	[smem:$0x3FB5] =	sst s7  }
0x10: {  	[smem:$0x3FB6] =	sst s8  }
0x11: {  	[smem:$0x3FB7] =	sst s9;
	s0 =	simm.s32 @!p0 $0x0  }
0x12: {  	s1 =	sld [smem:$0x3F9D];
	s0 =	simm.s32 @p0 $0x1  }
0x13: {  	[smem:$0x3FB8] =	sst s0;
	s0 =	simm.s32 @!p1 $0x0  }
0x14: {  	s2 =	sld [smem:$0x3F9C];
	s0 =	simm.s32 @p1 $0x1  }
0x15: {  	[smem:$0x3FB9] =	sst s0;
	s0 =	simm.s32 @!p2 $0x0  }
0x16: {  	s3 =	sld [smem:$0x3FDB];
	s0 =	simm.s32 @p2 $0x1  }
0x17: {  	s4 =	simm.s32 $0x1BF5;
	[smem:$0x3FBB] =	sst s0  }
0x18: {  	s0 =	sld [smem:$0x3F9E];
	_ =	swait.ge [sflag:s4], $0x0  }
0x19: {  	s7 =	sld [smem:$0x3F9F]  }
0x1a: {  	s8 =	sadd.s32 $0xFFFFE003, lr  }
0x1b: {  	s9 =	sadd.s32 $0xFFFFFEF7, lr;
	s5 =	simm.s32 $0xFFFFFFFF;
	p2 =	slt.u32 s8, $0xFFFFF086  }
0x1c: {  	p1 =	slt.u32 s9, $0xF7A;
	s5 =	simm.s32 @!p2 $0x0  }
0x1d: {  	s5 =	simm.s32 @p1 $0x1;
	p0 =	seq.s32 s7, s2  }
0x1e: {  	s7 =	smul.u32 @!p0 $0xF7A, s2;
	p2 =	seq.s32 @!p0 s5, $0x0  }
0x1f: {  	s9 =	smul.u32 $0xF7A, s1;
	s8 =	simm.s32 @!p0 $0x1BF5;
	p2 =	por !p2, p0  }
0x20: {  	[sflag:s8] =	ssyncset.s32 @!p0 $0xFFFFF086;
	s6 =	sadd.s32 @!p0 s3, s7;
	s7 =	simm.s32 @!p0 $0x108  }
0x21: {  	s3 =	sadd.s32 s3, s9;
	s6 =	sadd.s32 @!p0 $0x88, s6;
	s7 =	simm.s32 @p2 $0x1082  }
0x22: {  	[simem:s7], [sflag:s8] =	dma.local @!p0 [hbm:s6], $0xF7A  }
0x23: {  	s9 =	sor.u32 $0xD0000000, s2;
	s6 =	simm.s32 $0x108;
	_ =	swait.ge @!p0 [sflag:s8], $0x0  }
0x24: {  	s3 =	sadd.s32 $0x88, s3;
	s6 =	simm.s32 @!p1 $0x1082;
	[sflag:s4] =	ssyncset.s32 $0xFFFFF086  }
0x25: {  	[simem:s6], [sflag:s4] =	dma.local [hbm:s3], $0xF7A  }
0x26: {  	[smem:$0x3F9F] =	sst s1;
	(tag) =	ssettag s2;
	_ =	strace s9  }
0x27: {  	s1 =	sld [smem:$0x3FAF]  }
0x28: {  	s2 =	sld [smem:$0x3FB0]  }
0x29: {  	s4 =	sld [smem:$0x3FB2]  }
0x2a: {  	p0 =	seq.s32 s5, $0x0;
	s5 =	sld [smem:$0x3FB3]  }
0x2b: {  	s6 =	sld [smem:$0x3FB4]  }
0x2c: {  	s7 =	sld [smem:$0x3FB5]  }
0x2d: {  	s3 =	simm.s32 $0x108;
	s8 =	sld [smem:$0x3FB6]  }
0x2e: {  	s3 =	simm.s32 @!p0 $0x1082;
	s9 =	sld [smem:$0x3FB7]  }
0x2f: {  	lr =	sadd.s32 s0, s3;
	s0 =	sld [smem:$0x3FAE]  }
0x30: {  	s3 =	sld [smem:$0x3FB1]  }
0x31: {  	[smem:$0x3FBA] =	sst s10  }
0x32: {  	s10 =	sld [smem:$0x3FB8];
	_ =	sdelay $0x3  }
0x33: {  	p0 =	seq.s32 s10, $0x1;
	s10 =	sld [smem:$0x3FBA];
	_ =	sdelay $0x3  }
0x34: {  	[smem:$0x3FBA] =	sst s10  }
0x35: {  	s10 =	sld [smem:$0x3FB9];
	_ =	sdelay $0x3  }
0x36: {  	p1 =	seq.s32 s10, $0x1;
	s10 =	sld [smem:$0x3FBA];
	_ =	sdelay $0x3  }
0x37: {  	[smem:$0x3FBA] =	sst s10  }
0x38: {  	s10 =	sld [smem:$0x3FBB]  }
0x39: {  	_ = 	snop;
	(pc) =	sbr.ind lr, $3  }
0x3a: {  	_ = 	snop  }
0x3b: {  	_ = 	snop  }
0x3c: {  	p2 =	seq.s32 s10, $0x1;
	s10 =	sld [smem:$0x3FBA]  }
0x3d: {  	_ =	shalt  }
0x3e: {  	_ =	shalt  }
0x3f: {  	_ =	shalt  }
0x40: {  	_ =	shalt  }
0x41: {  	_ =	shalt  }
0x42: {  	_ =	shalt  }
0x43: {  	_ =	shalt  }
0x44: {  	_ =	shalt  }
0x45: {  	_ =	shalt  }
0x46: {  	_ =	shalt  }
0x47: {  	_ =	shalt  }
0x48: {  	_ =	shalt  }
0x49: {  	_ =	shalt  }
0x4a: {  	_ =	shalt  }
0x4b: {  	_ =	shalt  }
0x4c: {  	_ =	shalt  }
0x4d: {  	_ =	shalt  }
0x4e: {  	_ =	shalt  }
0x4f: {  	_ =	shalt  }
0x50: {  	_ =	shalt  }
0x51: {  	_ =	shalt  }
0x52: {  	_ =	shalt  }
0x53: {  	_ =	shalt  }
0x54: {  	_ =	shalt  }
0x55: {  	_ =	shalt  }
0x56: {  	_ =	shalt  }
0x57: {  	_ =	shalt  }
0x58: {  	_ =	shalt  }
0x59: {  	_ =	shalt  }
0x5a: {  	_ =	shalt  }
0x5b: {  	_ =	shalt  }
0x5c: {  	_ =	shalt  }
0x5d: {  	_ =	shalt  }
0x5e: {  	_ =	shalt  }
0x5f: {  	_ =	shalt  }
0x60: {  	_ =	shalt  }
0x61: {  	_ =	shalt  }
0x62: {  	_ =	shalt  }
0x63: {  	_ =	shalt  }
0x64: {  	_ =	shalt  }
0x65: {  	_ =	shalt  }
0x66: {  	_ =	shalt  }
0x67: {  	_ =	shalt  }
0x68: {  	_ =	shalt  }
0x69: {  	_ =	shalt  }
0x6a: {  	_ =	shalt  }
0x6b: {  	_ =	shalt  }
0x6c: {  	_ =	shalt  }
0x6d: {  	_ =	shalt  }
0x6e: {  	_ =	shalt  }
0x6f: {  	_ =	shalt  }
0x70: {  	_ =	shalt  }
0x71: {  	_ =	shalt  }
0x72: {  	_ =	shalt  }
0x73: {  	_ =	shalt  }
0x74: {  	_ =	shalt  }
0x75: {  	_ =	shalt  }
0x76: {  	_ =	shalt  }
0x77: {  	_ =	shalt  }
0x78: {  	_ =	shalt  }
0x79: {  	_ =	shalt  }
0x7a: {  	_ =	shalt  }
0x7b: {  	_ =	shalt  }
0x7c: {  	_ =	shalt  }
0x7d: {  	_ =	shalt  }
0x7e: {  	_ =	shalt  }
0x7f: {  	_ =	shalt  }
0x80: {  	_ =	shalt  }
0x81: {  	_ =	shalt  }
0x82: {  	_ =	shalt  }
0x83: {  	_ =	shalt  }
0x84: {  	_ =	shalt  }
0x85: {  	_ =	shalt  }
0x86: {  	_ =	shalt  }
0x87: {  	_ =	shalt  }
.Lfunc_end0:
.L_simem_size_0:
called_computation_lowered:
.L_overlay_start_0:
0x88: {  	s2 =	sld [smem:$0x3FD9]  }
0x89: {  	s3 =	sld [smem:$0x3FFE];
	_ =	sdelay $0x1  }
0x8a: {  	s1 =	srdreg.scid  }
0x8b: {  	s0 =	sand.u32 $0x1, s1  }
0x8c: {  	s17 =	sshll.u32 s0, $0xA;
	s2 =	sadd.s32 s3, s2  }
0x8d: {  	s2 =	sadd.s32 s2, s17  }
0x8e: {  	[smem:$0x3FC6] =	sst s2  }
0x8f: {  	_ = 	snop  }
0x90: {  	s2 =	sld [smem:$0x3FD0];
	(tm) =	ssettm $0x1  }
0x91: {  	s18 =	sld [smem:$0x3FFB];
	_ =	sdelay $0x3  }
0x92: {  	_ =	strace s18  }
0x93: {  	s3 =	sld [smem:$0x3FFC];
	_ =	sdelay $0x3  }
0x94: {  	_ =	strace s3  }
0x95: {  	s3 =	sld [smem:$0x3FFD];
	_ =	sdelay $0x3  }
0x96: {  	_ =	strace s3  }
0x97: {  	_ =	strace $0x8FFFFFFF  }
0x98: {  	s19 =	sld [smem:$0x3FDB];
	_ =	sdelay $0x1  }
0x99: {  	s4 =	simm.s32 $_scs_section_size  }
0x9a: {  	s5 =	simm.s32 $_size__tile_overlayer_lowered;
	s6 =	simm.s32 $_tile_overlayer_lowered  }
0x9b: {  	s22 =	simm.s32 $0x1BFF;
	s21 =	sshll.u32 s6, $0x1;
	s3 =	sadd.s32 s4, s19  }
0x9c: {  	s7 =	simm.s32 $0x0;
	s20 =	sshll.u32 s5, $0x1;
	s5 =	sadd.s32 s21, s3  }
0x9d: {  	[timem:s7], [sflag:s22] =	dma.local [hbm:s5], s20  }
0x9e: {  	_ =	swait.ge [sflag:s22], s20  }
0x9f: {  	s4 =	ssub.s32 $0x0, s20;
	[sflag:s22] =	ssyncset.done $0x0  }
0xa0: {  	[sflag:s22] =	ssyncadd.s32 s4;
	_ =	sdelay $0x1  }
0xa1: {  	s23 =	simm.s32 $0x1B8B  }
0xa2: {  	_ =	swait.ge [sflag:s23], $0x1  }
0xa3: {  	[sflag:s23] =	ssyncset.done $0x0  }
0xa4: {  	s25 =	simm.s32 $0x1B8E;
	s24 =	sld [smem:$0x3FFE];
	[sflag:s23] =	ssyncadd.s32 $0xFFFFFFFF  }
0xa5: {  	s26 =	simm.s32 $execute0_lowered;
	[smem:$0x3FD2] =	sst s25  }
0xa6: {  	s5 =	sshll.u32 s26, $0x1;
	_ =	strace $0x80000046;
	[dreg:$0x1] =	wrdreg $0xFFFFFFFF  }
0xa7: {  	s28 =	simm.s32 $_size_execute0_lowered;
	s3 =	sadd.s32 s3, s5;
	[dreg:$0x0] =	wrdreg $0x0  }
0xa8: {  	s5 =	sshll.u32 s28, $0x1;
	[dreg:$0x2] =	wrdreg s3  }
0xa9: {  	[dreg:$0x3] =	wrdreg s5  }
0xaa: {  	[dreg:$0x4] =	wrdreg $0xC0  }
0xab: {  	_ =	task [dreg:s7], $0x5FFFF  }
0xac: {  	[dreg:$0x1] =	wrdreg $0xFFFFFFFF  }
0xad: {  	[dreg:$0x0] =	wrdreg $0x60  }
0xae: {  	[dreg:$0x2] =	wrdreg s24  }
0xaf: {  	[dreg:$0x3] =	wrdreg s2  }
0xb0: {  	[dreg:$0x4] =	wrdreg $0x9  }
0xb1: {  	_ =	task.clear_ibuf [dreg:s7], $0x5FFFF;
	_ =	strace $0x90000046  }
0xb2: {  	s29 =	simm.s32 $0x9;
	_ =	strace $0x80000048  }
0xb3: {  	_ =	swait.ge [sflag:s29], $0x1  }
0xb4: {  	[sflag:s29] =	ssyncadd.s32 $0xFFFFFFFF  }
0xb5: {  	_ =	strace $0x90000048  }
0xb6: {  	_ =	sfence  }
0xb7: {  	s30 =	sld [smem:$0x0];
	_ =	sdelay $0x2  }
0xb8: {  	s31 =	sshll.u32 s1, $0xD;
	s1 =	sshrl.u32 s1, $0x2  }
0xb9: {  	s3 =	sand.u32 $0x4000, s31;
	s1 =	sadd.s32 s1, s30  }
0xba: {  	s0 =	sor.u32 s3, s0;
	s1 =	sshll.u32 s1, $0x11  }
0xbb: {  	s0 =	sor.u32 s1, s0  }
0xbc: {  	s0 =	sadd.s32 $0x8F2B, s0  }
0xbd: {  	[sflag:s0] =	ssyncadd.remote.s32 $0x1  }
0xbe: {  	_ =	sfence.sel $0xFFFF  }
0xbf: {  	[dreg:$0x0] =	wrdreg $0xFFFFFFFF;
	(pc) =	sbr.abs _section_cstart, $3  }
0xc0: {  	[dreg:$0x1] =	wrdreg $0xFFFFFFFF  }
0xc1: {  	_ =	task.clear_ibuf [dreg:s7], $0x2FFFF;
	_ =	strace $0x9FFFFFFF  }
0xc2: {  	(tm) =	ssettm $0x7FFFFFFF  }
0xc3: {  	_ =	shalt  }
tec
execute0_lowered:
.L_overlay_start_1:
0x0: {  	(tag) =	ssettag $0x1  }
0x1: {  	s0 =	rddreg [dreg:$0x0]  }
0x2: {  	s1 =	srdreg.scid;
	s2 =	stileid.u32  }
0x3: {  	s29 =	simm.s32 $0x0;
	s1 =	sand.u32 $0x1, s1;
	s4 =	sshll.u32 s2, $0x1  }
0x4: {  	s8 =	simm.s32 $0x500;
	s10 =	simm.s32 $0x280;
	s5 =	sor.u32 s1, s4  }
0x5: {  	s13 =	simm.s32 $0x2;
	s14 =	simm.s32 $0x400;
	s4 =	smul.u32 $0xC80, s5  }
0x6: {  	s15 =	simm.s32 $0x20000;
	s17 =	simm.s32 $0x3;
	s1 =	ssub.s32 $0x2, s1  }
0x7: {  	[smem:$0x7FF] =	sst s29;
	s30 =	sshrl.u32 s1, $0x1;
	s6 =	sadd.s32 s4, s0  }
0x8: {  	s4 =	sadd.s32 $0xF42A00, s0;
	s0 =	ssub.s32 s1, s30;
	s31 =	sadd.s32 $0x600, s6  }
0x9: {  	v0 =	vlaneseq.u32;
	_ =	strace $0x80000047;
	s0 =	smax.u32 s0, $0x1;
	[dreg:$0x3] =	wrdreg s31  }
0xa: {  	v0 =	vmul.u32 $0x32, v0;
	s2 =	simm.s32 $0x0;
	s6 =	sshll.u32 s5, $0x2;
	[dreg:$0x4] =	wrdreg s0  }
.LBB2_1:
0xb: {  	[dreg:$0x5] =	wrdreg s2  }
0xc: {  	s0 =	simm.s32 $0x0;
	s1 =	rddreg [dreg:$0x3];
	s31 =	simm.s32 $0x1  }
0xd: {  	[tilespmem:s8], [sflag:$0x1] =	stream.linear.gather [hbm4b:s1+s0], $0x6400, $0x38;
	[tilespmem:$0x1A900] =	vst v63  }
0xe: {  	_ =	swait.ge [sflag:s31], $0x6400  }
0xf: {  	[sflag:s31] =	ssyncset.done $0x0  }
0x10: {  	s22 =	simm.s32 $0x0;
	[sflag:s31] =	ssyncadd.s32 $0xFFFF9C00  }
.LBB2_2:
0x11: {  	s0 =	sshll.u32 s22, $0x1;
	s24 =	sshrl.u32 s22, $0x1  }
0x12: {  	s1 =	simm.s32 $0x0;
	s23 =	sand.u32 $0x2, s0;
	s26 =	smul.u32 $0x5, s24  }
0x13: {  	s1 =	sand.u32 $0x4, s1;
	s0 =	smul.u32 $0x1900, s23  }
0x14: {  	s5 =	sor.u32 $0x3, s1  }
0x15: {  	s7 =	smul.u32 $0x320, s5;
	s25 =	sadd.s32 s26, s0  }
0x16: {  	s3 =	sor.u32 $0x1, s1;
	s29 =	sadd.s32 $0x0, s25  }
0x17: {  	p0 =	seq.s32 s22, $0x0;
	s28 =	smul.u32 $0x320, s3;
	s7 =	sadd.s32 s7, s29  }
0x18: {  	s9 =	simm.s32 @!p0 $0x4;
	s30 =	sor.u32 $0x2, s1;
	v1 =	vadd.s32 s7, v0  }
0x19: {  	_ =	swait.ge @!p0 [sflag:s9], $0x5000;
	s11 =	smul.u32 $0x320, s30;
	s28 =	sadd.s32 s28, s29  }
0x1a: {  	s12 =	smul.u32 $0x320, s1;
	s19 =	sshll.u32 s1, $0x4;
	[sflag:s9] =	ssyncset.done @!p0 $0x0;
	v2 =	vadd.s32 s28, v0  }
0x1b: {  	s20 =	sshll.u32 s30, $0x4;
	s5 =	sshll.u32 s5, $0x4;
	s16 =	sadd.s32 s11, s29  }
0x1c: {  	[sflag:s9] =	ssyncadd.s32 @!p0 $0xFFFFB000;
	s9 =	sadd.s32 s12, s29;
	s28 =	simm.s32 $0x4;
	v3 =	vadd.s32 s16, v0  }
0x1d: {  	s0 =	sshll.u32 s3, $0x4;
	s3 =	simm.s32 $0x0;
	v4 =	vadd.s32 s9, v0;
	s7 =	sand.u32 $0x4, s28;
	v1 =	vld.idx.msk [tilespmem:v1+s8+$0x0], $0xffff  }
0x1e: {  	s21 =	sadd.s32 $0x0, s25;
	s3 =	sand.u32 $0x3FFFFF80, s3;
	s29 =	sor.u32 $0x3, s7  }
0x1f: {  	s5 =	sor.u32 s5, s3;
	s18 =	sor.u32 $0x1, s7;
	s31 =	smul.u32 $0x320, s29;
	v6 =	vld.idx.msk [tilespmem:v2+s8+$0x0], $0xffff  }
0x20: {  	s0 =	sor.u32 s0, s3;
	s2 =	sor.u32 $0x2, s7;
	s1 =	smul.u32 $0x320, s18  }
0x21: {  	s30 =	sshll.u32 s18, $0x4;
	s16 =	smul.u32 $0x320, s2;
	s11 =	sadd.s32 s31, s21;
	v2 =	vld.idx.msk [tilespmem:v3+s8+$0x0], $0xffff  }
0x22: {  	s18 =	smul.u32 $0x320, s7;
	s12 =	sadd.s32 s1, s21;
	s31 =	sshll.u32 s7, $0x4;
	v5 =	vadd.s32 s11, v0;
	[tilespmem:s5+$0x0] =	vst v1;
	v1 =	vld.idx.msk [tilespmem:v4+s8+$0x0], $0xffff  }
0x23: {  	s1 =	sshll.u32 s2, $0x4;
	s16 =	sadd.s32 s16, s21;
	s7 =	sor.u32 s20, s3;
	v3 =	vadd.s32 s12, v0  }
0x24: {  	s9 =	sadd.s32 s18, s21;
	v4 =	vadd.s32 s16, v0;
	s5 =	sor.u32 s19, s3;
	[tilespmem:s0+$0x0] =	vst v6;
	s0 =	simm.s32 $0x4  }
.LBB2_3:
0x25: {  	s28 =	sadd.s32 $0x4, s28;
	s3 =	smov.u32 s29  }
0x26: {  	v6 =	vadd.s32 s9, v0;
	[tilespmem:s7+$0x0] =	vst v2;
	s7 =	smov.u32 s30;
	s11 =	smov.u32 s31;
	s9 =	smov.u32 s1  }
0x27: {  	s0 =	sshll.u32 s0, $0x4;
	s1 =	sand.u32 $0x4, s28;
	p1 =	slt.u32 s28, $0x24;
	v7 =	vld.idx.msk [tilespmem:v5+s8+$0x0], $0xffff;
	[tilespmem:s5+$0x0] =	vst v1  }
0x28: {  	s5 =	sor.u32 $0x1, s1;
	s12 =	sor.u32 $0x2, s1;
	s29 =	sor.u32 $0x3, s1;
	v8 =	vld.idx.msk [tilespmem:v3+s8+$0x0], $0xffff  }
0x29: {  	s16 =	sshrl.u32 s28, $0x3;
	s30 =	sshll.u32 s5, $0x4;
	s18 =	smul.u32 $0x320, s29  }
0x2a: {  	s0 =	sand.u32 $0x3FFFFF80, s0;
	s16 =	sadd.s32 s25, s16;
	s5 =	smul.u32 $0x320, s5;
	v2 =	vld.idx.msk [tilespmem:v4+s8+$0x0], $0xffff  }
.Ltmp0:
0x2b: {  	s3 =	sshll.u32 s3, $0x4;
	s18 =	sadd.s32 s18, s16;
	v1 =	vld.idx.msk [tilespmem:v6+s8+$0x0], $0xffff;
	(pc) =	sbr.rel @p1 .LBB2_3-.Ltmp0, $4  }
0x2c: {  	s3 =	sor.u32 s3, s0;
	s19 =	smul.u32 $0x320, s12;
	s5 =	sadd.s32 s5, s16;
	v5 =	vadd.s32 s18, v0  }
0x2d: {  	s31 =	sshll.u32 s1, $0x4;
	s18 =	smul.u32 $0x320, s1;
	v3 =	vadd.s32 s5, v0;
	s1 =	sshll.u32 s12, $0x4;
	[tilespmem:s3+$0x0] =	vst v7  }
0x2e: {  	s12 =	sor.u32 s7, s0;
	s7 =	sor.u32 s9, s0;
	s3 =	sadd.s32 s19, s16  }
0x2f: {  	s5 =	sor.u32 s11, s0;
	s0 =	smov.u32 s28;
	s9 =	sadd.s32 s18, s16;
	v4 =	vadd.s32 s3, v0;
	[tilespmem:s12+$0x0] =	vst v8  }
0x30: {  	_ =	sdelay $0x1  }
0x31: {  	v6 =	vadd.s32 s9, v0;
	_ =	sdelay $0x1  }
0x32: {  	v5 =	vld.idx.msk [tilespmem:v5+s8+$0x0], $0xffff  }
0x33: {  	v3 =	vld.idx.msk [tilespmem:v3+s8+$0x0], $0xffff  }
0x34: {  	s0 =	sshll.u32 s0, $0x4;
	v4 =	vld.idx.msk [tilespmem:v4+s8+$0x0], $0xffff  }
0x35: {  	[tilespmem:s7+$0x0] =	vst v2;
	s3 =	sshll.u32 s29, $0x4;
	s0 =	sand.u32 $0x3FFFFF80, s0;
	v2 =	vld.idx.msk [tilespmem:v6+s8+$0x0], $0xffff  }
0x36: {  	[tilespmem:s5+$0x0] =	vst v1;
	s3 =	sor.u32 s3, s0  }
0x37: {  	s11 =	sor.u32 s30, s0;
	[tilespmem:s3+$0x0] =	vst v5  }
0x38: {  	s12 =	simm.s32 $0x0;
	s1 =	sor.u32 s1, s0;
	[tilespmem:s11+$0x0] =	vst v3  }
0x39: {  	s25 =	sor.u32 $0x1, s23;
	s18 =	simm.s32 $0x0;
	s0 =	sor.u32 s31, s0;
	[tilespmem:s1+$0x0] =	vst v4  }
0x3a: {  	s16 =	simm.s32 $0x6900;
	s19 =	smul.u32 $0x1900, s25;
	[tilespmem:s0+$0x0] =	vst v2;
	s0 =	sand.u32 $0x4, s18  }
0x3b: {  	[tilespmem:s16], [sflag:$0x2] =	stream.indirect.gather [hbm4b:s4+s10], $0x20, s12, s10, $0xb8;
	[tilespmem:$0x1A900] =	vst v63  }
0x3c: {  	s28 =	simm.s32 $0x4;
	s26 =	sadd.s32 s26, s19;
	s5 =	sor.u32 $0x3, s0  }
0x3d: {  	s1 =	simm.s32 @!p0 $0x5;
	s11 =	sadd.s32 $0x0, s26;
	s21 =	smul.u32 $0x320, s5  }
0x3e: {  	s20 =	sor.u32 $0x1, s0;
	s2 =	sor.u32 $0x2, s0;
	s19 =	smul.u32 $0x320, s0  }
0x3f: {  	s0 =	sshll.u32 s0, $0x4;
	s12 =	smul.u32 $0x320, s20;
	s7 =	sadd.s32 s21, s11  }
0x40: {  	_ =	swait.ge @!p0 [sflag:s1], $0x5000;
	s16 =	smul.u32 $0x320, s2;
	s3 =	sshll.u32 s20, $0x4;
	v1 =	vadd.s32 s7, v0  }
0x41: {  	s5 =	sshll.u32 s5, $0x4;
	[sflag:s1] =	ssyncset.done @!p0 $0x0;
	s18 =	sadd.s32 s12, s11  }
0x42: {  	[sflag:s1] =	ssyncadd.s32 @!p0 $0xFFFFB000;
	s20 =	sadd.s32 s16, s11;
	s16 =	sand.u32 $0x4, s28;
	v2 =	vadd.s32 s18, v0  }
0x43: {  	s12 =	sshll.u32 s2, $0x4;
	s21 =	sadd.s32 s19, s11;
	s29 =	sor.u32 $0x3, s16;
	v3 =	vadd.s32 s20, v0  }
0x44: {  	s19 =	sadd.s32 $0x0, s26;
	s7 =	sor.u32 $0x1, s16;
	v5 =	vadd.s32 s21, v0;
	s2 =	smul.u32 $0x320, s29  }
0x45: {  	s9 =	sor.u32 $0x2, s16;
	s18 =	simm.s32 $0x0;
	s20 =	smul.u32 $0x320, s7;
	v7 =	vld.idx.msk [tilespmem:v1+s8+$0x0], $0xffff  }
0x46: {  	s30 =	sshll.u32 s16, $0x4;
	s18 =	sand.u32 $0x3FFFFF80, s18;
	s21 =	smul.u32 $0x320, s9  }
0x47: {  	s31 =	sshll.u32 s7, $0x4;
	s1 =	sshll.u32 s9, $0x4;
	s11 =	sadd.s32 s2, s19;
	v2 =	vld.idx.msk [tilespmem:v2+s8+$0x0], $0xffff  }
0x48: {  	s18 =	sadd.s32 $0x280, s18;
	s20 =	sadd.s32 s20, s19;
	s2 =	smul.u32 $0x320, s16;
	v4 =	vadd.s32 s11, v0;
	v3 =	vld.idx.msk [tilespmem:v3+s8+$0x0], $0xffff  }
0x49: {  	s5 =	sor.u32 s5, s18;
	s21 =	sadd.s32 s21, s19;
	s0 =	sor.u32 s0, s18;
	v6 =	vadd.s32 s20, v0;
	v1 =	vld.idx.msk [tilespmem:v5+s8+$0x0], $0xffff  }
0x4a: {  	s7 =	sor.u32 s3, s18;
	s9 =	sadd.s32 s2, s19;
	v5 =	vadd.s32 s21, v0;
	[tilespmem:s5+$0x0] =	vst v7;
	s5 =	sor.u32 s12, s18  }
.LBB2_5:
0x4b: {  	s2 =	smov.u32 s28;
	s28 =	sadd.s32 $0x4, s28  }
0x4c: {  	v7 =	vadd.s32 s9, v0;
	[tilespmem:s7+$0x0] =	vst v2;
	s3 =	smov.u32 s29;
	s7 =	smov.u32 s31;
	s11 =	smov.u32 s1  }
0x4d: {  	s9 =	sand.u32 $0x4, s28;
	p0 =	slt.u32 s28, $0x24;
	v8 =	vld.idx.msk [tilespmem:v4+s8+$0x0], $0xffff;
	[tilespmem:s5+$0x0] =	vst v3;
	s2 =	sshll.u32 s2, $0x4  }
0x4e: {  	s1 =	sor.u32 $0x1, s9;
	s5 =	sor.u32 $0x2, s9;
	s29 =	sor.u32 $0x3, s9;
	v2 =	vld.idx.msk [tilespmem:v6+s8+$0x0], $0xffff;
	[tilespmem:s0+$0x0] =	vst v1  }
0x4f: {  	s3 =	sshll.u32 s3, $0x4;
	s0 =	sshrl.u32 s28, $0x3;
	s12 =	smul.u32 $0x320, s29  }
0x50: {  	s2 =	sand.u32 $0x3FFFFF80, s2;
	s16 =	sadd.s32 s26, s0;
	s0 =	smul.u32 $0x320, s1;
	v3 =	vld.idx.msk [tilespmem:v5+s8+$0x0], $0xffff  }
.Ltmp1:
0x51: {  	s2 =	sadd.s32 $0x280, s2;
	s12 =	sadd.s32 s12, s16;
	v1 =	vld.idx.msk [tilespmem:v7+s8+$0x0], $0xffff;
	(pc) =	sbr.rel @p0 .LBB2_5-.Ltmp1, $4  }
0x52: {  	s18 =	smul.u32 $0x320, s5;
	s3 =	sor.u32 s3, s2;
	s0 =	sadd.s32 s0, s16;
	v4 =	vadd.s32 s12, v0  }
0x53: {  	s31 =	sshll.u32 s1, $0x4;
	s1 =	sshll.u32 s5, $0x4;
	s12 =	smul.u32 $0x320, s9;
	v6 =	vadd.s32 s0, v0;
	[tilespmem:s3+$0x0] =	vst v8  }
0x54: {  	s0 =	sor.u32 s30, s2;
	s30 =	sshll.u32 s9, $0x4;
	s3 =	sadd.s32 s18, s16  }
0x55: {  	s7 =	sor.u32 s7, s2;
	s5 =	sor.u32 s11, s2;
	s9 =	sadd.s32 s12, s16;
	v5 =	vadd.s32 s3, v0  }
0x56: {  	_ =	sdelay $0x1  }
0x57: {  	v7 =	vadd.s32 s9, v0;
	_ =	sdelay $0x1  }
0x58: {  	v4 =	vld.idx.msk [tilespmem:v4+s8+$0x0], $0xffff  }
0x59: {  	v6 =	vld.idx.msk [tilespmem:v6+s8+$0x0], $0xffff;
	s2 =	sshll.u32 s28, $0x4  }
0x5a: {  	[tilespmem:s7+$0x0] =	vst v2;
	v2 =	vld.idx.msk [tilespmem:v5+s8+$0x0], $0xffff;
	s2 =	sand.u32 $0x3FFFFF80, s2  }
0x5b: {  	[tilespmem:s5+$0x0] =	vst v3;
	s3 =	sshll.u32 s29, $0x4;
	s2 =	sadd.s32 $0x280, s2;
	v3 =	vld.idx.msk [tilespmem:v7+s8+$0x0], $0xffff  }
0x5c: {  	[tilespmem:s0+$0x0] =	vst v1;
	s18 =	sor.u32 s3, s2  }
0x5d: {  	s19 =	sor.u32 s31, s2;
	[tilespmem:s18+$0x0] =	vst v4  }
0x5e: {  	s1 =	sor.u32 s1, s2;
	[tilespmem:s19+$0x0] =	vst v6  }
0x5f: {  	s20 =	sor.u32 s30, s2;
	[tilespmem:s1+$0x0] =	vst v2  }
0x60: {  	s21 =	simm.s32 $0xB900;
	[tilespmem:s20+$0x0] =	vst v3  }
0x61: {  	[tilespmem:s21], [sflag:$0x3] =	stream.indirect.gather [hbm4b:s4+s10], $0x20, s10, s10, $0xb8;
	[tilespmem:$0x1A900] =	vst v63  }
0x62: {  	s24 =	smul.u32 $0x280000, s24;
	s26 =	sor.u32 s6, s23;
	_ =	swait.ge [sflag:s13], $0x5000  }
0x63: {  	s1 =	sshll.u32 s26, $0xA;
	[sflag:s13] =	ssyncset.done $0x0  }
0x64: {  	s29 =	simm.s32 $0x10900;
	s1 =	sor.u32 s24, s1;
	[sflag:s13] =	ssyncadd.s32 $0xFFFFB000  }
0x65: {  	s22 =	sadd.s32 $0x1, s22;
	s1 =	sshrl.u32 s1, $0x3;
	s28 =	rddreg [dreg:$0x1]  }
0x66: {  	p0 =	sne.s32 s22, $0x14;
	s30 =	sor.u32 s6, s25;
	s1 =	sadd.s32 s28, s1  }
0x67: {  	[hbm4b:s1+s14] =	stream.strided.scatter [tilespmem:s29], [sflag:$0x4], $0x5000, s15, s14, $0x38;
	[tilespmem:$0x1A900] =	vst v63  }
.Ltmp2:
0x68: {  	s1 =	sshll.u32 s30, $0xA;
	(pc) =	sbr.rel @p0 .LBB2_2-.Ltmp2, $4  }
0x69: {  	_ =	swait.ge [sflag:s17], $0x5000;
	s0 =	sor.u32 s24, s1  }
0x6a: {  	[sflag:s17] =	ssyncset.done $0x0;
	s0 =	sshrl.u32 s0, $0x3  }
0x6b: {  	s31 =	simm.s32 $0x15900;
	[sflag:s17] =	ssyncadd.s32 $0xFFFFB000;
	s0 =	sadd.s32 s28, s0  }
0x6c: {  	[hbm4b:s0+s14] =	stream.strided.scatter [tilespmem:s31], [sflag:$0x5], $0x5000, s15, s14, $0x38;
	[tilespmem:$0x1A900] =	vst v63  }
0x6d: {  	s0 =	simm.s32 $0x4  }
0x6e: {  	_ =	swait.ge [sflag:s0], $0x5000  }
0x6f: {  	[sflag:s0] =	ssyncset.done $0x0  }
0x70: {  	s1 =	simm.s32 $0x5;
	[sflag:s0] =	ssyncadd.s32 $0xFFFFB000  }
0x71: {  	_ =	swait.ge [sflag:s1], $0x5000  }
0x72: {  	s2 =	rddreg [dreg:$0x5]  }
0x73: {  	s31 =	rddreg [dreg:$0x4];
	s2 =	sadd.s32 $0x1, s2  }
0x74: {  	p0 =	sne.s32 s2, s31  }
.Ltmp3:
0x75: {  	_ = 	snop;
	(pc) =	sbr.rel @p0 .LBB2_1-.Ltmp3, $3  }
0x76: {  	_ =	sdelay $0x1  }
0x77: {  	[sflag:s1] =	ssyncset.done $0x0  }
0x78: {  	[sflag:s1] =	ssyncadd.s32 $0xFFFFB000  }
0x79: {  	_ =	sfence.sel $0x180000  }
0x7a: {  	[bflag:$0x0] =	sbarrier.arrive $0xFFFF  }
0x7b: {  	_ =	strace $0x90000047  }
0x7c: {  	s0 =	stileid.u32;
	[bflag:$0x2] =	sbarrier.arrive $0xFFFF  }
0x7d: {  	p0 =	sne.s32 s0, $0x0;
	s0 =	rddreg [dreg:$0x2]  }
0x7e: {  	s0 =	sadd.s32 @!p0 $0x100000, s0  }
0x7f: {  	[sflag:s0] =	ssyncadd.tile.s32 @!p0 $0x1;
	_ =	shalt  }
.Lfunc_end2:
_tile_overlayer_lowered:
.L_overlay_start_2:
0x80: {  	(tag) =	ssettag $0x2  }
0x81: {  	s0 =	rddreg [dreg:$0x0];
	s2 =	stileid.u32  }
0x82: {  	s1 =	rddreg [dreg:$0x1];
	p0 =	sne.s32 s2, $0x0  }
0x83: {  	s3 =	rddreg [dreg:$0x2];
	[bflag:$0x3] =	sbarrier.arrive $0xFFFF;
	s2 =	simm.s32 @!p0 $0x1C06  }
0x84: {  	[timem:s3], [sflag:s2] =	dma.local @!p0 [hbm:s0], s1  }
0x85: {  	s0 =	simm.s32 @!p0 $0x6  }
0x86: {  	_ =	swait.ge @!p0 [sflag:s0], s1  }
0x87: {  	s1 =	ssub.s32 @!p0 $0x0, s1;
	[sflag:s0] =	ssyncset.done @!p0 $0x0  }
0x88: {  	[sflag:s0] =	ssyncadd.s32 @!p0 s1  }
0x89: {  	[bflag:$0x3] =	sbarrier.arrive $0xFFFF  }
0x8a: {  	_ =	shalt  }

</sc_bundles>
